<compile_context>
chip_gen: v7x
topology: tpu7x:2x2x1
jax: 0.10.2.dev20260603
libtpu: 0.0.44.dev20260713+nightly
codegen_flags: <defaults>
</compile_context>

<pallas_src>
import functools

import jax
import jax.numpy as jnp
from jax import lax
from jax.experimental import pallas as pl
from jax.experimental.pallas import tpu as pltpu
from jax.experimental.pallas import tpu_sc as plsc

_B = 4096
_S = 200
_D = 64
_DP = 128
_NC = 2
_NS = 16
_NW = _NC * _NS
_NB = _B // _NW
_GA = 96
_GB = _S - _GA


def _gather_body(idx_hbm, table_hbm, out_hbm, idx_v,
                 rows0_v, rows1_v, rows2_v, rows3_v,
                 sg0, sg1, sg2, sg3, sw0, sw1, sw2, sw3):
    wid = lax.axis_index("s") * _NC + lax.axis_index("c")
    b0 = wid * _NB
    pltpu.sync_copy(idx_hbm.at[pl.ds(b0, _NB)], idx_v)

    def fire_gather(c, buf, sem):
        pltpu.async_copy(table_hbm.at[idx_v.at[c, pl.ds(0, _GA)]],
                         buf.at[pl.ds(0, _GA)], sem)
        pltpu.async_copy(table_hbm.at[idx_v.at[c, pl.ds(_GA, _GB)]],
                         buf.at[pl.ds(_GA, _GB)], sem)

    def wait_gather(c, buf, sem):
        pltpu.make_async_copy(table_hbm.at[idx_v.at[c, pl.ds(0, _GA)]],
                              buf.at[pl.ds(0, _GA)], sem).wait()
        pltpu.make_async_copy(table_hbm.at[idx_v.at[c, pl.ds(_GA, _GB)]],
                              buf.at[pl.ds(_GA, _GB)], sem).wait()

    def fire_write(c, buf, sem):
        pltpu.async_copy(buf, out_hbm.at[b0 + c, :, pl.ds(0, _D)], sem)

    def wait_write(c, buf, sem):
        pltpu.make_async_copy(buf, out_hbm.at[b0 + c, :, pl.ds(0, _D)],
                              sem).wait()

    bufs = (rows0_v, rows1_v, rows2_v, rows3_v)
    sgs = (sg0, sg1, sg2, sg3)
    sws = (sw0, sw1, sw2, sw3)
    for j in range(4):
        fire_gather(j, bufs[j], sgs[j])

    def step(i, carry):
        c0 = i * 4
        for j in range(4):
            wait_gather(c0 + j, bufs[j], sgs[j])
            fire_write(c0 + j, bufs[j], sws[j])

        @pl.when(i < _NB // 4 - 1)
        def _refill():
            for j in range(4):
                wait_write(c0 + j, bufs[j], sws[j])
                fire_gather(c0 + 4 + j, bufs[j], sgs[j])

        return carry

    lax.fori_loop(0, _NB // 4, step, 0)
    for j in range(4):
        wait_write(_NB - 4 + j, bufs[j], sws[j])


_mesh = plsc.VectorSubcoreMesh(core_axis_name="c", subcore_axis_name="s")

_gather = functools.partial(
    pl.kernel,
    out_type=jax.ShapeDtypeStruct((_B, _S, _DP), jnp.float32),
    mesh=_mesh,
    scratch_types=(
        [pltpu.VMEM((_NB, _S), jnp.int32)]
        + [pltpu.VMEM((_S, _D), jnp.float32)] * 4
        + [pltpu.SemaphoreType.DMA] * 8
    ),
    compiler_params=pltpu.CompilerParams(use_tc_tiling_on_sc=False),
)(_gather_body)


def kernel(gene_indices, table):
    wide = _gather(gene_indices, table)
    return lax.slice(wide, (0, 0, 0), (_B, _S, _D))

# --- scband reference (transcript-rebuilt; emitter-appended) ---
"""Pipeline reference for scband-gene-embedding-39273180955117 (READ-ONLY COPY).

The authoritative reference and input builder live on the scoring server;
editing this copy changes nothing except your own understanding.
"""

import jax, jax.numpy as jnp
import numpy as np

N_GENES = 100000
EMBED_DIM = 64
PADDING_IDX = 1
BATCH = 4096
SEQ = 200


def setup_inputs(seed: int = 0) -> dict:
    key = jax.random.key(seed)
    k_idx, k_tab = jax.random.split(key)
    gene_indices = jax.random.randint(k_idx, (BATCH, SEQ), 0, N_GENES, dtype=jnp.int32)
    # nn.Embedding weight: normal(0, 0.02), padding_idx row zeroed
    table = 0.02 * jax.random.normal(k_tab, (N_GENES, EMBED_DIM), dtype=jnp.float32)
    table = table.at[PADDING_IDX].set(0.0)
    return {"gene_indices": gene_indices, "table": table}


def reference(gene_indices, table):
    # nn.Embedding forward: row gather from the embedding table
    return jnp.take(table, gene_indices, axis=0)

if __name__ == "__main__":
    import jax
    _d = setup_inputs()
    print(jax.jit(kernel)(*tuple(_d.values())))

</pallas_src>

<mosaic_0001>
#map = affine_map<(d0, d1) -> (0, 0)>
#map1 = affine_map<(d0, d1) -> (0, 0, 0)>
module attributes {stable_mosaic.version = 14 : i64} {
  func.func @_gather_body(%arg0: i32, %arg1: i32, %arg2: memref<4096x200xi32, #tpu.memory_space<hbm>>, %arg3: memref<100000x64xf32, #tpu.memory_space<hbm>>, %arg4: memref<4096x200x128xf32, #tpu.memory_space<hbm>>, %arg5: memref<128x200xi32, #tpu.memory_space<vmem>>, %arg6: memref<200x64xf32, #tpu.memory_space<vmem>>, %arg7: memref<200x64xf32, #tpu.memory_space<vmem>>, %arg8: memref<200x64xf32, #tpu.memory_space<vmem>>, %arg9: memref<200x64xf32, #tpu.memory_space<vmem>>, %arg10: memref<!tpu.dma_semaphore, #tpu.memory_space<semaphore_mem>>, %arg11: memref<!tpu.dma_semaphore, #tpu.memory_space<semaphore_mem>>, %arg12: memref<!tpu.dma_semaphore, #tpu.memory_space<semaphore_mem>>, %arg13: memref<!tpu.dma_semaphore, #tpu.memory_space<semaphore_mem>>, %arg14: memref<!tpu.dma_semaphore, #tpu.memory_space<semaphore_mem>>, %arg15: memref<!tpu.dma_semaphore, #tpu.memory_space<semaphore_mem>>, %arg16: memref<!tpu.dma_semaphore, #tpu.memory_space<semaphore_mem>>, %arg17: memref<!tpu.dma_semaphore, #tpu.memory_space<semaphore_mem>>) attributes {dimension_semantics = [#tpu.dimension_semantics<core_parallel>, #tpu.dimension_semantics<subcore_parallel>], iteration_bounds = array<i64: 2, 16>, scalar_prefetch = 0 : i64, scratch_operands = 13 : i64, tpu.core_type = #tpu.core_type<sc_vector_subcore>, window_params = [{transform_indices = #map}, {transform_indices = #map}, {transform_indices = #map1}]} {
    %mul3A = arith.constant 2 : i32
    %mul3A_0 = arith.muli %arg1, %mul3A : i32
    %add3A = arith.addi %mul3A_0, %arg0 : i32
    %mul3A_1 = arith.constant 128 : i32
    %mul3A_2 = arith.muli %add3A, %mul3A_1 : i32
    "tpu.region"() ({
      %run_scoped3A = tpu.sem_alloc : memref<!tpu.dma_semaphore, #tpu.memory_space<semaphore_mem>>
      %dma_start3A_126 = arith.constant 0 : i32
      %dma_start3A_127 = tpu.memref_slice %arg2[%mul3A_2, %dma_start3A_126] : memref<4096x200xi32, #tpu.memory_space<hbm>> -> memref<128x200xi32, #tpu.memory_space<hbm>>
      %dma_start3A_128 = arith.constant 0 : i32
      %dma_start3A_129 = tpu.memref_slice %arg2[%mul3A_2, %dma_start3A_128] : memref<4096x200xi32, #tpu.memory_space<hbm>> -> memref<128x200xi32, #tpu.memory_space<hbm>>
      tpu.enqueue_dma source(%dma_start3A_129 : memref<128x200xi32, #tpu.memory_space<hbm>>) target(%arg5 : memref<128x200xi32, #tpu.memory_space<vmem>>) target_semaphore(%run_scoped3A : memref<!tpu.dma_semaphore, #tpu.memory_space<semaphore_mem>>)
      %dma_wait3A_130 = arith.constant 0 : i32
      %dma_wait3A_131 = tpu.memref_slice %arg2[%mul3A_2, %dma_wait3A_130] : memref<4096x200xi32, #tpu.memory_space<hbm>> -> memref<128x200xi32, #tpu.memory_space<hbm>>
      %dma_wait3A_132 = arith.constant 0 : i32
      %dma_wait3A_133 = tpu.memref_slice %arg2[%mul3A_2, %dma_wait3A_132] : memref<4096x200xi32, #tpu.memory_space<hbm>> -> memref<128x200xi32, #tpu.memory_space<hbm>>
      tpu.wait_dma2 semaphore(%run_scoped3A : memref<!tpu.dma_semaphore, #tpu.memory_space<semaphore_mem>>) src(%dma_wait3A_133 : memref<128x200xi32, #tpu.memory_space<hbm>>) dst(%arg5 : memref<128x200xi32, #tpu.memory_space<vmem>>)
      tpu.yield
    }) : () -> ()
    %dma_start3A = arith.constant 0 : i32
    %dma_start3A_3 = arith.constant 0 : i32
    %dma_start3A_4 = arith.constant 0 : i32
    %dma_start3A_5 = tpu.memref_slice %arg6[%dma_start3A_3, %dma_start3A_4] : memref<200x64xf32, #tpu.memory_space<vmem>> -> memref<96x64xf32, #tpu.memory_space<vmem>>
    %dma_start3A_6 = arith.constant 0 : i32
    %dma_start3A_7 = tpu.memref_slice %arg5[%dma_start3A, %dma_start3A_6] : memref<128x200xi32, #tpu.memory_space<vmem>> -> memref<1x96xi32, #tpu.memory_space<vmem>>
    %dma_start3A_8 = tpu.memref_squeeze %dma_start3A_7 : memref<1x96xi32, #tpu.memory_space<vmem>> -> memref<96xi32, #tpu.memory_space<vmem>>
    %dma_start3A_9 = arith.constant 0 : i32
    %dma_start3A_10 = arith.constant 0 : i32
    %dma_start3A_11 = tpu.memref_slice %arg3[%dma_start3A_9, %dma_start3A_10] : memref<100000x64xf32, #tpu.memory_space<hbm>> -> memref<100000x64xf32, #tpu.memory_space<hbm>>
    tpu.enqueue_indirect_dma source(%dma_start3A_11 : memref<100000x64xf32, #tpu.memory_space<hbm>>) target(%dma_start3A_5 : memref<96x64xf32, #tpu.memory_space<vmem>>) offsets(%dma_start3A_8 : memref<96xi32, #tpu.memory_space<vmem>>) semaphore(%arg10 : memref<!tpu.dma_semaphore, #tpu.memory_space<semaphore_mem>>)
    %dma_start3A_12 = arith.constant 0 : i32
    %dma_start3A_13 = arith.constant 96 : i32
    %dma_start3A_14 = arith.constant 0 : i32
    %dma_start3A_15 = tpu.memref_slice %arg6[%dma_start3A_13, %dma_start3A_14] : memref<200x64xf32, #tpu.memory_space<vmem>> -> memref<104x64xf32, #tpu.memory_space<vmem>>
    %dma_start3A_16 = arith.constant 96 : i32
    %dma_start3A_17 = tpu.memref_slice %arg5[%dma_start3A_12, %dma_start3A_16] : memref<128x200xi32, #tpu.memory_space<vmem>> -> memref<1x104xi32, #tpu.memory_space<vmem>>
    %dma_start3A_18 = tpu.memref_squeeze %dma_start3A_17 : memref<1x104xi32, #tpu.memory_space<vmem>> -> memref<104xi32, #tpu.memory_space<vmem>>
    %dma_start3A_19 = arith.constant 0 : i32
    %dma_start3A_20 = arith.constant 0 : i32
    %dma_start3A_21 = tpu.memref_slice %arg3[%dma_start3A_19, %dma_start3A_20] : memref<100000x64xf32, #tpu.memory_space<hbm>> -> memref<100000x64xf32, #tpu.memory_space<hbm>>
    tpu.enqueue_indirect_dma source(%dma_start3A_21 : memref<100000x64xf32, #tpu.memory_space<hbm>>) target(%dma_start3A_15 : memref<104x64xf32, #tpu.memory_space<vmem>>) offsets(%dma_start3A_18 : memref<104xi32, #tpu.memory_space<vmem>>) semaphore(%arg10 : memref<!tpu.dma_semaphore, #tpu.memory_space<semaphore_mem>>)
    %dma_start3A_22 = arith.constant 1 : i32
    %dma_start3A_23 = arith.constant 0 : i32
    %dma_start3A_24 = arith.constant 0 : i32
    %dma_start3A_25 = tpu.memref_slice %arg7[%dma_start3A_23, %dma_start3A_24] : memref<200x64xf32, #tpu.memory_space<vmem>> -> memref<96x64xf32, #tpu.memory_space<vmem>>
    %dma_start3A_26 = arith.constant 0 : i32
    %dma_start3A_27 = tpu.memref_slice %arg5[%dma_start3A_22, %dma_start3A_26] : memref<128x200xi32, #tpu.memory_space<vmem>> -> memref<1x96xi32, #tpu.memory_space<vmem>>
    %dma_start3A_28 = tpu.memref_squeeze %dma_start3A_27 : memref<1x96xi32, #tpu.memory_space<vmem>> -> memref<96xi32, #tpu.memory_space<vmem>>
    %dma_start3A_29 = arith.constant 0 : i32
    %dma_start3A_30 = arith.constant 0 : i32
    %dma_start3A_31 = tpu.memref_slice %arg3[%dma_start3A_29, %dma_start3A_30] : memref<100000x64xf32, #tpu.memory_space<hbm>> -> memref<100000x64xf32, #tpu.memory_space<hbm>>
    tpu.enqueue_indirect_dma source(%dma_start3A_31 : memref<100000x64xf32, #tpu.memory_space<hbm>>) target(%dma_start3A_25 : memref<96x64xf32, #tpu.memory_space<vmem>>) offsets(%dma_start3A_28 : memref<96xi32, #tpu.memory_space<vmem>>) semaphore(%arg11 : memref<!tpu.dma_semaphore, #tpu.memory_space<semaphore_mem>>)
    %dma_start3A_32 = arith.constant 1 : i32
    %dma_start3A_33 = arith.constant 96 : i32
    %dma_start3A_34 = arith.constant 0 : i32
    %dma_start3A_35 = tpu.memref_slice %arg7[%dma_start3A_33, %dma_start3A_34] : memref<200x64xf32, #tpu.memory_space<vmem>> -> memref<104x64xf32, #tpu.memory_space<vmem>>
    %dma_start3A_36 = arith.constant 96 : i32
    %dma_start3A_37 = tpu.memref_slice %arg5[%dma_start3A_32, %dma_start3A_36] : memref<128x200xi32, #tpu.memory_space<vmem>> -> memref<1x104xi32, #tpu.memory_space<vmem>>
    %dma_start3A_38 = tpu.memref_squeeze %dma_start3A_37 : memref<1x104xi32, #tpu.memory_space<vmem>> -> memref<104xi32, #tpu.memory_space<vmem>>
    %dma_start3A_39 = arith.constant 0 : i32
    %dma_start3A_40 = arith.constant 0 : i32
    %dma_start3A_41 = tpu.memref_slice %arg3[%dma_start3A_39, %dma_start3A_40] : memref<100000x64xf32, #tpu.memory_space<hbm>> -> memref<100000x64xf32, #tpu.memory_space<hbm>>
    tpu.enqueue_indirect_dma source(%dma_start3A_41 : memref<100000x64xf32, #tpu.memory_space<hbm>>) target(%dma_start3A_35 : memref<104x64xf32, #tpu.memory_space<vmem>>) offsets(%dma_start3A_38 : memref<104xi32, #tpu.memory_space<vmem>>) semaphore(%arg11 : memref<!tpu.dma_semaphore, #tpu.memory_space<semaphore_mem>>)
    %dma_start3A_42 = arith.constant 2 : i32
    %dma_start3A_43 = arith.constant 0 : i32
    %dma_start3A_44 = arith.constant 0 : i32
    %dma_start3A_45 = tpu.memref_slice %arg8[%dma_start3A_43, %dma_start3A_44] : memref<200x64xf32, #tpu.memory_space<vmem>> -> memref<96x64xf32, #tpu.memory_space<vmem>>
    %dma_start3A_46 = arith.constant 0 : i32
    %dma_start3A_47 = tpu.memref_slice %arg5[%dma_start3A_42, %dma_start3A_46] : memref<128x200xi32, #tpu.memory_space<vmem>> -> memref<1x96xi32, #tpu.memory_space<vmem>>
    %dma_start3A_48 = tpu.memref_squeeze %dma_start3A_47 : memref<1x96xi32, #tpu.memory_space<vmem>> -> memref<96xi32, #tpu.memory_space<vmem>>
    %dma_start3A_49 = arith.constant 0 : i32
    %dma_start3A_50 = arith.constant 0 : i32
    %dma_start3A_51 = tpu.memref_slice %arg3[%dma_start3A_49, %dma_start3A_50] : memref<100000x64xf32, #tpu.memory_space<hbm>> -> memref<100000x64xf32, #tpu.memory_space<hbm>>
    tpu.enqueue_indirect_dma source(%dma_start3A_51 : memref<100000x64xf32, #tpu.memory_space<hbm>>) target(%dma_start3A_45 : memref<96x64xf32, #tpu.memory_space<vmem>>) offsets(%dma_start3A_48 : memref<96xi32, #tpu.memory_space<vmem>>) semaphore(%arg12 : memref<!tpu.dma_semaphore, #tpu.memory_space<semaphore_mem>>)
    %dma_start3A_52 = arith.constant 2 : i32
    %dma_start3A_53 = arith.constant 96 : i32
    %dma_start3A_54 = arith.constant 0 : i32
    %dma_start3A_55 = tpu.memref_slice %arg8[%dma_start3A_53, %dma_start3A_54] : memref<200x64xf32, #tpu.memory_space<vmem>> -> memref<104x64xf32, #tpu.memory_space<vmem>>
    %dma_start3A_56 = arith.constant 96 : i32
    %dma_start3A_57 = tpu.memref_slice %arg5[%dma_start3A_52, %dma_start3A_56] : memref<128x200xi32, #tpu.memory_space<vmem>> -> memref<1x104xi32, #tpu.memory_space<vmem>>
    %dma_start3A_58 = tpu.memref_squeeze %dma_start3A_57 : memref<1x104xi32, #tpu.memory_space<vmem>> -> memref<104xi32, #tpu.memory_space<vmem>>
    %dma_start3A_59 = arith.constant 0 : i32
    %dma_start3A_60 = arith.constant 0 : i32
    %dma_start3A_61 = tpu.memref_slice %arg3[%dma_start3A_59, %dma_start3A_60] : memref<100000x64xf32, #tpu.memory_space<hbm>> -> memref<100000x64xf32, #tpu.memory_space<hbm>>
    tpu.enqueue_indirect_dma source(%dma_start3A_61 : memref<100000x64xf32, #tpu.memory_space<hbm>>) target(%dma_start3A_55 : memref<104x64xf32, #tpu.memory_space<vmem>>) offsets(%dma_start3A_58 : memref<104xi32, #tpu.memory_space<vmem>>) semaphore(%arg12 : memref<!tpu.dma_semaphore, #tpu.memory_space<semaphore_mem>>)
    %dma_start3A_62 = arith.constant 3 : i32
    %dma_start3A_63 = arith.constant 0 : i32
    %dma_start3A_64 = arith.constant 0 : i32
    %dma_start3A_65 = tpu.memref_slice %arg9[%dma_start3A_63, %dma_start3A_64] : memref<200x64xf32, #tpu.memory_space<vmem>> -> memref<96x64xf32, #tpu.memory_space<vmem>>
    %dma_start3A_66 = arith.constant 0 : i32
    %dma_start3A_67 = tpu.memref_slice %arg5[%dma_start3A_62, %dma_start3A_66] : memref<128x200xi32, #tpu.memory_space<vmem>> -> memref<1x96xi32, #tpu.memory_space<vmem>>
    %dma_start3A_68 = tpu.memref_squeeze %dma_start3A_67 : memref<1x96xi32, #tpu.memory_space<vmem>> -> memref<96xi32, #tpu.memory_space<vmem>>
    %dma_start3A_69 = arith.constant 0 : i32
    %dma_start3A_70 = arith.constant 0 : i32
    %dma_start3A_71 = tpu.memref_slice %arg3[%dma_start3A_69, %dma_start3A_70] : memref<100000x64xf32, #tpu.memory_space<hbm>> -> memref<100000x64xf32, #tpu.memory_space<hbm>>
    tpu.enqueue_indirect_dma source(%dma_start3A_71 : memref<100000x64xf32, #tpu.memory_space<hbm>>) target(%dma_start3A_65 : memref<96x64xf32, #tpu.memory_space<vmem>>) offsets(%dma_start3A_68 : memref<96xi32, #tpu.memory_space<vmem>>) semaphore(%arg13 : memref<!tpu.dma_semaphore, #tpu.memory_space<semaphore_mem>>)
    %dma_start3A_72 = arith.constant 3 : i32
    %dma_start3A_73 = arith.constant 96 : i32
    %dma_start3A_74 = arith.constant 0 : i32
    %dma_start3A_75 = tpu.memref_slice %arg9[%dma_start3A_73, %dma_start3A_74] : memref<200x64xf32, #tpu.memory_space<vmem>> -> memref<104x64xf32, #tpu.memory_space<vmem>>
    %dma_start3A_76 = arith.constant 96 : i32
    %dma_start3A_77 = tpu.memref_slice %arg5[%dma_start3A_72, %dma_start3A_76] : memref<128x200xi32, #tpu.memory_space<vmem>> -> memref<1x104xi32, #tpu.memory_space<vmem>>
    %dma_start3A_78 = tpu.memref_squeeze %dma_start3A_77 : memref<1x104xi32, #tpu.memory_space<vmem>> -> memref<104xi32, #tpu.memory_space<vmem>>
    %dma_start3A_79 = arith.constant 0 : i32
    %dma_start3A_80 = arith.constant 0 : i32
    %dma_start3A_81 = tpu.memref_slice %arg3[%dma_start3A_79, %dma_start3A_80] : memref<100000x64xf32, #tpu.memory_space<hbm>> -> memref<100000x64xf32, #tpu.memory_space<hbm>>
    tpu.enqueue_indirect_dma source(%dma_start3A_81 : memref<100000x64xf32, #tpu.memory_space<hbm>>) target(%dma_start3A_75 : memref<104x64xf32, #tpu.memory_space<vmem>>) offsets(%dma_start3A_78 : memref<104xi32, #tpu.memory_space<vmem>>) semaphore(%arg13 : memref<!tpu.dma_semaphore, #tpu.memory_space<semaphore_mem>>)
    %scan3A = arith.constant 0 : i32
    %scan3A_82 = arith.constant 0 : i32
    %scan3A_83 = arith.constant 32 : i32
    %scan3A_84 = arith.addi %scan3A_82, %scan3A_83 : i32
    %scan3A_85 = arith.constant 1 : i32
    scf.for %scan3A_126 = %scan3A_82 to %scan3A_84 step %scan3A_85  : i32 {
      %mul3A_127 = arith.constant 4 : i32
      %mul3A_128 = arith.muli %scan3A_126, %mul3A_127 : i32
      %add3A_129 = arith.constant 0 : i32
      %add3A_130 = arith.addi %mul3A_128, %add3A_129 : i32
      %dma_wait3A_131 = arith.constant 0 : i32
      %dma_wait3A_132 = arith.constant 0 : i32
      %dma_wait3A_133 = tpu.memref_slice %arg6[%dma_wait3A_131, %dma_wait3A_132] : memref<200x64xf32, #tpu.memory_space<vmem>> -> memref<96x64xf32, #tpu.memory_space<vmem>>
      %dma_wait3A_134 = arith.constant 0 : i32
      %dma_wait3A_135 = tpu.memref_slice %arg5[%add3A_130, %dma_wait3A_134] : memref<128x200xi32, #tpu.memory_space<vmem>> -> memref<1x96xi32, #tpu.memory_space<vmem>>
      %dma_wait3A_136 = tpu.memref_squeeze %dma_wait3A_135 : memref<1x96xi32, #tpu.memory_space<vmem>> -> memref<96xi32, #tpu.memory_space<vmem>>
      %dma_wait3A_137 = arith.constant 0 : i32
      %dma_wait3A_138 = arith.constant 0 : i32
      %dma_wait3A_139 = tpu.memref_slice %arg3[%dma_wait3A_137, %dma_wait3A_138] : memref<100000x64xf32, #tpu.memory_space<hbm>> -> memref<100000x64xf32, #tpu.memory_space<hbm>>
      tpu.wait_indirect_dma semaphore(%arg10 : memref<!tpu.dma_semaphore, #tpu.memory_space<semaphore_mem>>) src(%dma_wait3A_139 : memref<100000x64xf32, #tpu.memory_space<hbm>>) dst(%dma_wait3A_133 : memref<96x64xf32, #tpu.memory_space<vmem>>)
      %dma_wait3A_140 = arith.constant 96 : i32
      %dma_wait3A_141 = arith.constant 0 : i32
      %dma_wait3A_142 = tpu.memref_slice %arg6[%dma_wait3A_140, %dma_wait3A_141] : memref<200x64xf32, #tpu.memory_space<vmem>> -> memref<104x64xf32, #tpu.memory_space<vmem>>
      %dma_wait3A_143 = arith.constant 96 : i32
      %dma_wait3A_144 = tpu.memref_slice %arg5[%add3A_130, %dma_wait3A_143] : memref<128x200xi32, #tpu.memory_space<vmem>> -> memref<1x104xi32, #tpu.memory_space<vmem>>
      %dma_wait3A_145 = tpu.memref_squeeze %dma_wait3A_144 : memref<1x104xi32, #tpu.memory_space<vmem>> -> memref<104xi32, #tpu.memory_space<vmem>>
      %dma_wait3A_146 = arith.constant 0 : i32
      %dma_wait3A_147 = arith.constant 0 : i32
      %dma_wait3A_148 = tpu.memref_slice %arg3[%dma_wait3A_146, %dma_wait3A_147] : memref<100000x64xf32, #tpu.memory_space<hbm>> -> memref<100000x64xf32, #tpu.memory_space<hbm>>
      tpu.wait_indirect_dma semaphore(%arg10 : memref<!tpu.dma_semaphore, #tpu.memory_space<semaphore_mem>>) src(%dma_wait3A_148 : memref<100000x64xf32, #tpu.memory_space<hbm>>) dst(%dma_wait3A_142 : memref<104x64xf32, #tpu.memory_space<vmem>>)
      %add3A_149 = arith.constant 0 : i32
      %add3A_150 = arith.addi %mul3A_128, %add3A_149 : i32
      %add3A_151 = arith.addi %mul3A_2, %add3A_150 : i32
      %dma_start3A_152 = arith.constant 0 : i32
      %dma_start3A_153 = arith.constant 0 : i32
      %dma_start3A_154 = tpu.memref_slice %arg4[%add3A_151, %dma_start3A_152, %dma_start3A_153] : memref<4096x200x128xf32, #tpu.memory_space<hbm>> -> memref<1x200x64xf32, #tpu.memory_space<hbm>>
      %dma_start3A_155 = tpu.memref_squeeze %dma_start3A_154 : memref<1x200x64xf32, #tpu.memory_space<hbm>> -> memref<200x64xf32, #tpu.memory_space<hbm>>
      %dma_start3A_156 = arith.constant 0 : i32
      %dma_start3A_157 = arith.constant 0 : i32
      %dma_start3A_158 = tpu.memref_slice %arg4[%add3A_151, %dma_start3A_156, %dma_start3A_157] : memref<4096x200x128xf32, #tpu.memory_space<hbm>> -> memref<1x200x64xf32, #tpu.memory_space<hbm>>
      %dma_start3A_159 = tpu.memref_squeeze %dma_start3A_158 : memref<1x200x64xf32, #tpu.memory_space<hbm>> -> memref<200x64xf32, #tpu.memory_space<hbm>>
      tpu.enqueue_dma source(%arg6 : memref<200x64xf32, #tpu.memory_space<vmem>>) target(%dma_start3A_159 : memref<200x64xf32, #tpu.memory_space<hbm>>) target_semaphore(%arg14 : memref<!tpu.dma_semaphore, #tpu.memory_space<semaphore_mem>>)
      %add3A_160 = arith.constant 1 : i32
      %add3A_161 = arith.addi %mul3A_128, %add3A_160 : i32
      %dma_wait3A_162 = arith.constant 0 : i32
      %dma_wait3A_163 = arith.constant 0 : i32
      %dma_wait3A_164 = tpu.memref_slice %arg7[%dma_wait3A_162, %dma_wait3A_163] : memref<200x64xf32, #tpu.memory_space<vmem>> -> memref<96x64xf32, #tpu.memory_space<vmem>>
      %dma_wait3A_165 = arith.constant 0 : i32
      %dma_wait3A_166 = tpu.memref_slice %arg5[%add3A_161, %dma_wait3A_165] : memref<128x200xi32, #tpu.memory_space<vmem>> -> memref<1x96xi32, #tpu.memory_space<vmem>>
      %dma_wait3A_167 = tpu.memref_squeeze %dma_wait3A_166 : memref<1x96xi32, #tpu.memory_space<vmem>> -> memref<96xi32, #tpu.memory_space<vmem>>
      %dma_wait3A_168 = arith.constant 0 : i32
      %dma_wait3A_169 = arith.constant 0 : i32
      %dma_wait3A_170 = tpu.memref_slice %arg3[%dma_wait3A_168, %dma_wait3A_169] : memref<100000x64xf32, #tpu.memory_space<hbm>> -> memref<100000x64xf32, #tpu.memory_space<hbm>>
      tpu.wait_indirect_dma semaphore(%arg11 : memref<!tpu.dma_semaphore, #tpu.memory_space<semaphore_mem>>) src(%dma_wait3A_170 : memref<100000x64xf32, #tpu.memory_space<hbm>>) dst(%dma_wait3A_164 : memref<96x64xf32, #tpu.memory_space<vmem>>)
      %dma_wait3A_171 = arith.constant 96 : i32
      %dma_wait3A_172 = arith.constant 0 : i32
      %dma_wait3A_173 = tpu.memref_slice %arg7[%dma_wait3A_171, %dma_wait3A_172] : memref<200x64xf32, #tpu.memory_space<vmem>> -> memref<104x64xf32, #tpu.memory_space<vmem>>
      %dma_wait3A_174 = arith.constant 96 : i32
      %dma_wait3A_175 = tpu.memref_slice %arg5[%add3A_161, %dma_wait3A_174] : memref<128x200xi32, #tpu.memory_space<vmem>> -> memref<1x104xi32, #tpu.memory_space<vmem>>
      %dma_wait3A_176 = tpu.memref_squeeze %dma_wait3A_175 : memref<1x104xi32, #tpu.memory_space<vmem>> -> memref<104xi32, #tpu.memory_space<vmem>>
      %dma_wait3A_177 = arith.constant 0 : i32
      %dma_wait3A_178 = arith.constant 0 : i32
      %dma_wait3A_179 = tpu.memref_slice %arg3[%dma_wait3A_177, %dma_wait3A_178] : memref<100000x64xf32, #tpu.memory_space<hbm>> -> memref<100000x64xf32, #tpu.memory_space<hbm>>
      tpu.wait_indirect_dma semaphore(%arg11 : memref<!tpu.dma_semaphore, #tpu.memory_space<semaphore_mem>>) src(%dma_wait3A_179 : memref<100000x64xf32, #tpu.memory_space<hbm>>) dst(%dma_wait3A_173 : memref<104x64xf32, #tpu.memory_space<vmem>>)
      %add3A_180 = arith.constant 1 : i32
      %add3A_181 = arith.addi %mul3A_128, %add3A_180 : i32
      %add3A_182 = arith.addi %mul3A_2, %add3A_181 : i32
      %dma_start3A_183 = arith.constant 0 : i32
      %dma_start3A_184 = arith.constant 0 : i32
      %dma_start3A_185 = tpu.memref_slice %arg4[%add3A_182, %dma_start3A_183, %dma_start3A_184] : memref<4096x200x128xf32, #tpu.memory_space<hbm>> -> memref<1x200x64xf32, #tpu.memory_space<hbm>>
      %dma_start3A_186 = tpu.memref_squeeze %dma_start3A_185 : memref<1x200x64xf32, #tpu.memory_space<hbm>> -> memref<200x64xf32, #tpu.memory_space<hbm>>
      %dma_start3A_187 = arith.constant 0 : i32
      %dma_start3A_188 = arith.constant 0 : i32
      %dma_start3A_189 = tpu.memref_slice %arg4[%add3A_182, %dma_start3A_187, %dma_start3A_188] : memref<4096x200x128xf32, #tpu.memory_space<hbm>> -> memref<1x200x64xf32, #tpu.memory_space<hbm>>
      %dma_start3A_190 = tpu.memref_squeeze %dma_start3A_189 : memref<1x200x64xf32, #tpu.memory_space<hbm>> -> memref<200x64xf32, #tpu.memory_space<hbm>>
      tpu.enqueue_dma source(%arg7 : memref<200x64xf32, #tpu.memory_space<vmem>>) target(%dma_start3A_190 : memref<200x64xf32, #tpu.memory_space<hbm>>) target_semaphore(%arg15 : memref<!tpu.dma_semaphore, #tpu.memory_space<semaphore_mem>>)
      %add3A_191 = arith.constant 2 : i32
      %add3A_192 = arith.addi %mul3A_128, %add3A_191 : i32
      %dma_wait3A_193 = arith.constant 0 : i32
      %dma_wait3A_194 = arith.constant 0 : i32
      %dma_wait3A_195 = tpu.memref_slice %arg8[%dma_wait3A_193, %dma_wait3A_194] : memref<200x64xf32, #tpu.memory_space<vmem>> -> memref<96x64xf32, #tpu.memory_space<vmem>>
      %dma_wait3A_196 = arith.constant 0 : i32
      %dma_wait3A_197 = tpu.memref_slice %arg5[%add3A_192, %dma_wait3A_196] : memref<128x200xi32, #tpu.memory_space<vmem>> -> memref<1x96xi32, #tpu.memory_space<vmem>>
      %dma_wait3A_198 = tpu.memref_squeeze %dma_wait3A_197 : memref<1x96xi32, #tpu.memory_space<vmem>> -> memref<96xi32, #tpu.memory_space<vmem>>
      %dma_wait3A_199 = arith.constant 0 : i32
      %dma_wait3A_200 = arith.constant 0 : i32
      %dma_wait3A_201 = tpu.memref_slice %arg3[%dma_wait3A_199, %dma_wait3A_200] : memref<100000x64xf32, #tpu.memory_space<hbm>> -> memref<100000x64xf32, #tpu.memory_space<hbm>>
      tpu.wait_indirect_dma semaphore(%arg12 : memref<!tpu.dma_semaphore, #tpu.memory_space<semaphore_mem>>) src(%dma_wait3A_201 : memref<100000x64xf32, #tpu.memory_space<hbm>>) dst(%dma_wait3A_195 : memref<96x64xf32, #tpu.memory_space<vmem>>)
      %dma_wait3A_202 = arith.constant 96 : i32
      %dma_wait3A_203 = arith.constant 0 : i32
      %dma_wait3A_204 = tpu.memref_slice %arg8[%dma_wait3A_202, %dma_wait3A_203] : memref<200x64xf32, #tpu.memory_space<vmem>> -> memref<104x64xf32, #tpu.memory_space<vmem>>
      %dma_wait3A_205 = arith.constant 96 : i32
      %dma_wait3A_206 = tpu.memref_slice %arg5[%add3A_192, %dma_wait3A_205] : memref<128x200xi32, #tpu.memory_space<vmem>> -> memref<1x104xi32, #tpu.memory_space<vmem>>
      %dma_wait3A_207 = tpu.memref_squeeze %dma_wait3A_206 : memref<1x104xi32, #tpu.memory_space<vmem>> -> memref<104xi32, #tpu.memory_space<vmem>>
      %dma_wait3A_208 = arith.constant 0 : i32
      %dma_wait3A_209 = arith.constant 0 : i32
      %dma_wait3A_210 = tpu.memref_slice %arg3[%dma_wait3A_208, %dma_wait3A_209] : memref<100000x64xf32, #tpu.memory_space<hbm>> -> memref<100000x64xf32, #tpu.memory_space<hbm>>
      tpu.wait_indirect_dma semaphore(%arg12 : memref<!tpu.dma_semaphore, #tpu.memory_space<semaphore_mem>>) src(%dma_wait3A_210 : memref<100000x64xf32, #tpu.memory_space<hbm>>) dst(%dma_wait3A_204 : memref<104x64xf32, #tpu.memory_space<vmem>>)
      %add3A_211 = arith.constant 2 : i32
      %add3A_212 = arith.addi %mul3A_128, %add3A_211 : i32
      %add3A_213 = arith.addi %mul3A_2, %add3A_212 : i32
      %dma_start3A_214 = arith.constant 0 : i32
      %dma_start3A_215 = arith.constant 0 : i32
      %dma_start3A_216 = tpu.memref_slice %arg4[%add3A_213, %dma_start3A_214, %dma_start3A_215] : memref<4096x200x128xf32, #tpu.memory_space<hbm>> -> memref<1x200x64xf32, #tpu.memory_space<hbm>>
      %dma_start3A_217 = tpu.memref_squeeze %dma_start3A_216 : memref<1x200x64xf32, #tpu.memory_space<hbm>> -> memref<200x64xf32, #tpu.memory_space<hbm>>
      %dma_start3A_218 = arith.constant 0 : i32
      %dma_start3A_219 = arith.constant 0 : i32
      %dma_start3A_220 = tpu.memref_slice %arg4[%add3A_213, %dma_start3A_218, %dma_start3A_219] : memref<4096x200x128xf32, #tpu.memory_space<hbm>> -> memref<1x200x64xf32, #tpu.memory_space<hbm>>
      %dma_start3A_221 = tpu.memref_squeeze %dma_start3A_220 : memref<1x200x64xf32, #tpu.memory_space<hbm>> -> memref<200x64xf32, #tpu.memory_space<hbm>>
      tpu.enqueue_dma source(%arg8 : memref<200x64xf32, #tpu.memory_space<vmem>>) target(%dma_start3A_221 : memref<200x64xf32, #tpu.memory_space<hbm>>) target_semaphore(%arg16 : memref<!tpu.dma_semaphore, #tpu.memory_space<semaphore_mem>>)
      %add3A_222 = arith.constant 3 : i32
      %add3A_223 = arith.addi %mul3A_128, %add3A_222 : i32
      %dma_wait3A_224 = arith.constant 0 : i32
      %dma_wait3A_225 = arith.constant 0 : i32
      %dma_wait3A_226 = tpu.memref_slice %arg9[%dma_wait3A_224, %dma_wait3A_225] : memref<200x64xf32, #tpu.memory_space<vmem>> -> memref<96x64xf32, #tpu.memory_space<vmem>>
      %dma_wait3A_227 = arith.constant 0 : i32
      %dma_wait3A_228 = tpu.memref_slice %arg5[%add3A_223, %dma_wait3A_227] : memref<128x200xi32, #tpu.memory_space<vmem>> -> memref<1x96xi32, #tpu.memory_space<vmem>>
      %dma_wait3A_229 = tpu.memref_squeeze %dma_wait3A_228 : memref<1x96xi32, #tpu.memory_space<vmem>> -> memref<96xi32, #tpu.memory_space<vmem>>
      %dma_wait3A_230 = arith.constant 0 : i32
      %dma_wait3A_231 = arith.constant 0 : i32
      %dma_wait3A_232 = tpu.memref_slice %arg3[%dma_wait3A_230, %dma_wait3A_231] : memref<100000x64xf32, #tpu.memory_space<hbm>> -> memref<100000x64xf32, #tpu.memory_space<hbm>>
      tpu.wait_indirect_dma semaphore(%arg13 : memref<!tpu.dma_semaphore, #tpu.memory_space<semaphore_mem>>) src(%dma_wait3A_232 : memref<100000x64xf32, #tpu.memory_space<hbm>>) dst(%dma_wait3A_226 : memref<96x64xf32, #tpu.memory_space<vmem>>)
      %dma_wait3A_233 = arith.constant 96 : i32
      %dma_wait3A_234 = arith.constant 0 : i32
      %dma_wait3A_235 = tpu.memref_slice %arg9[%dma_wait3A_233, %dma_wait3A_234] : memref<200x64xf32, #tpu.memory_space<vmem>> -> memref<104x64xf32, #tpu.memory_space<vmem>>
      %dma_wait3A_236 = arith.constant 96 : i32
      %dma_wait3A_237 = tpu.memref_slice %arg5[%add3A_223, %dma_wait3A_236] : memref<128x200xi32, #tpu.memory_space<vmem>> -> memref<1x104xi32, #tpu.memory_space<vmem>>
      %dma_wait3A_238 = tpu.memref_squeeze %dma_wait3A_237 : memref<1x104xi32, #tpu.memory_space<vmem>> -> memref<104xi32, #tpu.memory_space<vmem>>
      %dma_wait3A_239 = arith.constant 0 : i32
      %dma_wait3A_240 = arith.constant 0 : i32
      %dma_wait3A_241 = tpu.memref_slice %arg3[%dma_wait3A_239, %dma_wait3A_240] : memref<100000x64xf32, #tpu.memory_space<hbm>> -> memref<100000x64xf32, #tpu.memory_space<hbm>>
      tpu.wait_indirect_dma semaphore(%arg13 : memref<!tpu.dma_semaphore, #tpu.memory_space<semaphore_mem>>) src(%dma_wait3A_241 : memref<100000x64xf32, #tpu.memory_space<hbm>>) dst(%dma_wait3A_235 : memref<104x64xf32, #tpu.memory_space<vmem>>)
      %add3A_242 = arith.constant 3 : i32
      %add3A_243 = arith.addi %mul3A_128, %add3A_242 : i32
      %add3A_244 = arith.addi %mul3A_2, %add3A_243 : i32
      %dma_start3A_245 = arith.constant 0 : i32
      %dma_start3A_246 = arith.constant 0 : i32
      %dma_start3A_247 = tpu.memref_slice %arg4[%add3A_244, %dma_start3A_245, %dma_start3A_246] : memref<4096x200x128xf32, #tpu.memory_space<hbm>> -> memref<1x200x64xf32, #tpu.memory_space<hbm>>
      %dma_start3A_248 = tpu.memref_squeeze %dma_start3A_247 : memref<1x200x64xf32, #tpu.memory_space<hbm>> -> memref<200x64xf32, #tpu.memory_space<hbm>>
      %dma_start3A_249 = arith.constant 0 : i32
      %dma_start3A_250 = arith.constant 0 : i32
      %dma_start3A_251 = tpu.memref_slice %arg4[%add3A_244, %dma_start3A_249, %dma_start3A_250] : memref<4096x200x128xf32, #tpu.memory_space<hbm>> -> memref<1x200x64xf32, #tpu.memory_space<hbm>>
      %dma_start3A_252 = tpu.memref_squeeze %dma_start3A_251 : memref<1x200x64xf32, #tpu.memory_space<hbm>> -> memref<200x64xf32, #tpu.memory_space<hbm>>
      tpu.enqueue_dma source(%arg9 : memref<200x64xf32, #tpu.memory_space<vmem>>) target(%dma_start3A_252 : memref<200x64xf32, #tpu.memory_space<hbm>>) target_semaphore(%arg17 : memref<!tpu.dma_semaphore, #tpu.memory_space<semaphore_mem>>)
      %lt3A = arith.constant 31 : i32
      %lt3A_253 = arith.cmpi slt, %scan3A_126, %lt3A : i32
      %convert_element_type3A = arith.extui %lt3A_253 : i1 to i32
      %cond3A = arith.constant 0 : i32
      %cond3A_254 = arith.cmpi ne, %convert_element_type3A, %cond3A : i32
      scf.if %cond3A_254 {
        %add3A_255 = arith.constant 0 : i32
        %add3A_256 = arith.addi %mul3A_128, %add3A_255 : i32
        %add3A_257 = arith.addi %mul3A_2, %add3A_256 : i32
        %dma_wait3A_258 = arith.constant 0 : i32
        %dma_wait3A_259 = arith.constant 0 : i32
        %dma_wait3A_260 = tpu.memref_slice %arg4[%add3A_257, %dma_wait3A_258, %dma_wait3A_259] : memref<4096x200x128xf32, #tpu.memory_space<hbm>> -> memref<1x200x64xf32, #tpu.memory_space<hbm>>
        %dma_wait3A_261 = tpu.memref_squeeze %dma_wait3A_260 : memref<1x200x64xf32, #tpu.memory_space<hbm>> -> memref<200x64xf32, #tpu.memory_space<hbm>>
        %dma_wait3A_262 = arith.constant 0 : i32
        %dma_wait3A_263 = arith.constant 0 : i32
        %dma_wait3A_264 = tpu.memref_slice %arg4[%add3A_257, %dma_wait3A_262, %dma_wait3A_263] : memref<4096x200x128xf32, #tpu.memory_space<hbm>> -> memref<1x200x64xf32, #tpu.memory_space<hbm>>
        %dma_wait3A_265 = tpu.memref_squeeze %dma_wait3A_264 : memref<1x200x64xf32, #tpu.memory_space<hbm>> -> memref<200x64xf32, #tpu.memory_space<hbm>>
        tpu.wait_dma2 semaphore(%arg14 : memref<!tpu.dma_semaphore, #tpu.memory_space<semaphore_mem>>) src(%arg6 : memref<200x64xf32, #tpu.memory_space<vmem>>) dst(%dma_wait3A_265 : memref<200x64xf32, #tpu.memory_space<hbm>>)
        %add3A_266 = arith.constant 4 : i32
        %add3A_267 = arith.addi %mul3A_128, %add3A_266 : i32
        %add3A_268 = arith.constant 0 : i32
        %add3A_269 = arith.addi %add3A_267, %add3A_268 : i32
        %dma_start3A_270 = arith.constant 0 : i32
        %dma_start3A_271 = arith.constant 0 : i32
        %dma_start3A_272 = tpu.memref_slice %arg6[%dma_start3A_270, %dma_start3A_271] : memref<200x64xf32, #tpu.memory_space<vmem>> -> memref<96x64xf32, #tpu.memory_space<vmem>>
        %dma_start3A_273 = arith.constant 0 : i32
        %dma_start3A_274 = tpu.memref_slice %arg5[%add3A_269, %dma_start3A_273] : memref<128x200xi32, #tpu.memory_space<vmem>> -> memref<1x96xi32, #tpu.memory_space<vmem>>
        %dma_start3A_275 = tpu.memref_squeeze %dma_start3A_274 : memref<1x96xi32, #tpu.memory_space<vmem>> -> memref<96xi32, #tpu.memory_space<vmem>>
        %dma_start3A_276 = arith.constant 0 : i32
        %dma_start3A_277 = arith.constant 0 : i32
        %dma_start3A_278 = tpu.memref_slice %arg3[%dma_start3A_276, %dma_start3A_277] : memref<100000x64xf32, #tpu.memory_space<hbm>> -> memref<100000x64xf32, #tpu.memory_space<hbm>>
        tpu.enqueue_indirect_dma source(%dma_start3A_278 : memref<100000x64xf32, #tpu.memory_space<hbm>>) target(%dma_start3A_272 : memref<96x64xf32, #tpu.memory_space<vmem>>) offsets(%dma_start3A_275 : memref<96xi32, #tpu.memory_space<vmem>>) semaphore(%arg10 : memref<!tpu.dma_semaphore, #tpu.memory_space<semaphore_mem>>)
        %dma_start3A_279 = arith.constant 96 : i32
        %dma_start3A_280 = arith.constant 0 : i32
        %dma_start3A_281 = tpu.memref_slice %arg6[%dma_start3A_279, %dma_start3A_280] : memref<200x64xf32, #tpu.memory_space<vmem>> -> memref<104x64xf32, #tpu.memory_space<vmem>>
        %dma_start3A_282 = arith.constant 96 : i32
        %dma_start3A_283 = tpu.memref_slice %arg5[%add3A_269, %dma_start3A_282] : memref<128x200xi32, #tpu.memory_space<vmem>> -> memref<1x104xi32, #tpu.memory_space<vmem>>
        %dma_start3A_284 = tpu.memref_squeeze %dma_start3A_283 : memref<1x104xi32, #tpu.memory_space<vmem>> -> memref<104xi32, #tpu.memory_space<vmem>>
        %dma_start3A_285 = arith.constant 0 : i32
        %dma_start3A_286 = arith.constant 0 : i32
        %dma_start3A_287 = tpu.memref_slice %arg3[%dma_start3A_285, %dma_start3A_286] : memref<100000x64xf32, #tpu.memory_space<hbm>> -> memref<100000x64xf32, #tpu.memory_space<hbm>>
        tpu.enqueue_indirect_dma source(%dma_start3A_287 : memref<100000x64xf32, #tpu.memory_space<hbm>>) target(%dma_start3A_281 : memref<104x64xf32, #tpu.memory_space<vmem>>) offsets(%dma_start3A_284 : memref<104xi32, #tpu.memory_space<vmem>>) semaphore(%arg10 : memref<!tpu.dma_semaphore, #tpu.memory_space<semaphore_mem>>)
        %add3A_288 = arith.constant 1 : i32
        %add3A_289 = arith.addi %mul3A_128, %add3A_288 : i32
        %add3A_290 = arith.addi %mul3A_2, %add3A_289 : i32
        %dma_wait3A_291 = arith.constant 0 : i32
        %dma_wait3A_292 = arith.constant 0 : i32
        %dma_wait3A_293 = tpu.memref_slice %arg4[%add3A_290, %dma_wait3A_291, %dma_wait3A_292] : memref<4096x200x128xf32, #tpu.memory_space<hbm>> -> memref<1x200x64xf32, #tpu.memory_space<hbm>>
        %dma_wait3A_294 = tpu.memref_squeeze %dma_wait3A_293 : memref<1x200x64xf32, #tpu.memory_space<hbm>> -> memref<200x64xf32, #tpu.memory_space<hbm>>
        %dma_wait3A_295 = arith.constant 0 : i32
        %dma_wait3A_296 = arith.constant 0 : i32
        %dma_wait3A_297 = tpu.memref_slice %arg4[%add3A_290, %dma_wait3A_295, %dma_wait3A_296] : memref<4096x200x128xf32, #tpu.memory_space<hbm>> -> memref<1x200x64xf32, #tpu.memory_space<hbm>>
        %dma_wait3A_298 = tpu.memref_squeeze %dma_wait3A_297 : memref<1x200x64xf32, #tpu.memory_space<hbm>> -> memref<200x64xf32, #tpu.memory_space<hbm>>
        tpu.wait_dma2 semaphore(%arg15 : memref<!tpu.dma_semaphore, #tpu.memory_space<semaphore_mem>>) src(%arg7 : memref<200x64xf32, #tpu.memory_space<vmem>>) dst(%dma_wait3A_298 : memref<200x64xf32, #tpu.memory_space<hbm>>)
        %add3A_299 = arith.constant 4 : i32
        %add3A_300 = arith.addi %mul3A_128, %add3A_299 : i32
        %add3A_301 = arith.constant 1 : i32
        %add3A_302 = arith.addi %add3A_300, %add3A_301 : i32
        %dma_start3A_303 = arith.constant 0 : i32
        %dma_start3A_304 = arith.constant 0 : i32
        %dma_start3A_305 = tpu.memref_slice %arg7[%dma_start3A_303, %dma_start3A_304] : memref<200x64xf32, #tpu.memory_space<vmem>> -> memref<96x64xf32, #tpu.memory_space<vmem>>
        %dma_start3A_306 = arith.constant 0 : i32
        %dma_start3A_307 = tpu.memref_slice %arg5[%add3A_302, %dma_start3A_306] : memref<128x200xi32, #tpu.memory_space<vmem>> -> memref<1x96xi32, #tpu.memory_space<vmem>>
        %dma_start3A_308 = tpu.memref_squeeze %dma_start3A_307 : memref<1x96xi32, #tpu.memory_space<vmem>> -> memref<96xi32, #tpu.memory_space<vmem>>
        %dma_start3A_309 = arith.constant 0 : i32
        %dma_start3A_310 = arith.constant 0 : i32
        %dma_start3A_311 = tpu.memref_slice %arg3[%dma_start3A_309, %dma_start3A_310] : memref<100000x64xf32, #tpu.memory_space<hbm>> -> memref<100000x64xf32, #tpu.memory_space<hbm>>
        tpu.enqueue_indirect_dma source(%dma_start3A_311 : memref<100000x64xf32, #tpu.memory_space<hbm>>) target(%dma_start3A_305 : memref<96x64xf32, #tpu.memory_space<vmem>>) offsets(%dma_start3A_308 : memref<96xi32, #tpu.memory_space<vmem>>) semaphore(%arg11 : memref<!tpu.dma_semaphore, #tpu.memory_space<semaphore_mem>>)
        %dma_start3A_312 = arith.constant 96 : i32
        %dma_start3A_313 = arith.constant 0 : i32
        %dma_start3A_314 = tpu.memref_slice %arg7[%dma_start3A_312, %dma_start3A_313] : memref<200x64xf32, #tpu.memory_space<vmem>> -> memref<104x64xf32, #tpu.memory_space<vmem>>
        %dma_start3A_315 = arith.constant 96 : i32
        %dma_start3A_316 = tpu.memref_slice %arg5[%add3A_302, %dma_start3A_315] : memref<128x200xi32, #tpu.memory_space<vmem>> -> memref<1x104xi32, #tpu.memory_space<vmem>>
        %dma_start3A_317 = tpu.memref_squeeze %dma_start3A_316 : memref<1x104xi32, #tpu.memory_space<vmem>> -> memref<104xi32, #tpu.memory_space<vmem>>
        %dma_start3A_318 = arith.constant 0 : i32
        %dma_start3A_319 = arith.constant 0 : i32
        %dma_start3A_320 = tpu.memref_slice %arg3[%dma_start3A_318, %dma_start3A_319] : memref<100000x64xf32, #tpu.memory_space<hbm>> -> memref<100000x64xf32, #tpu.memory_space<hbm>>
        tpu.enqueue_indirect_dma source(%dma_start3A_320 : memref<100000x64xf32, #tpu.memory_space<hbm>>) target(%dma_start3A_314 : memref<104x64xf32, #tpu.memory_space<vmem>>) offsets(%dma_start3A_317 : memref<104xi32, #tpu.memory_space<vmem>>) semaphore(%arg11 : memref<!tpu.dma_semaphore, #tpu.memory_space<semaphore_mem>>)
        %add3A_321 = arith.constant 2 : i32
        %add3A_322 = arith.addi %mul3A_128, %add3A_321 : i32
        %add3A_323 = arith.addi %mul3A_2, %add3A_322 : i32
        %dma_wait3A_324 = arith.constant 0 : i32
        %dma_wait3A_325 = arith.constant 0 : i32
        %dma_wait3A_326 = tpu.memref_slice %arg4[%add3A_323, %dma_wait3A_324, %dma_wait3A_325] : memref<4096x200x128xf32, #tpu.memory_space<hbm>> -> memref<1x200x64xf32, #tpu.memory_space<hbm>>
        %dma_wait3A_327 = tpu.memref_squeeze %dma_wait3A_326 : memref<1x200x64xf32, #tpu.memory_space<hbm>> -> memref<200x64xf32, #tpu.memory_space<hbm>>
        %dma_wait3A_328 = arith.constant 0 : i32
        %dma_wait3A_329 = arith.constant 0 : i32
        %dma_wait3A_330 = tpu.memref_slice %arg4[%add3A_323, %dma_wait3A_328, %dma_wait3A_329] : memref<4096x200x128xf32, #tpu.memory_space<hbm>> -> memref<1x200x64xf32, #tpu.memory_space<hbm>>
        %dma_wait3A_331 = tpu.memref_squeeze %dma_wait3A_330 : memref<1x200x64xf32, #tpu.memory_space<hbm>> -> memref<200x64xf32, #tpu.memory_space<hbm>>
        tpu.wait_dma2 semaphore(%arg16 : memref<!tpu.dma_semaphore, #tpu.memory_space<semaphore_mem>>) src(%arg8 : memref<200x64xf32, #tpu.memory_space<vmem>>) dst(%dma_wait3A_331 : memref<200x64xf32, #tpu.memory_space<hbm>>)
        %add3A_332 = arith.constant 4 : i32
        %add3A_333 = arith.addi %mul3A_128, %add3A_332 : i32
        %add3A_334 = arith.constant 2 : i32
        %add3A_335 = arith.addi %add3A_333, %add3A_334 : i32
        %dma_start3A_336 = arith.constant 0 : i32
        %dma_start3A_337 = arith.constant 0 : i32
        %dma_start3A_338 = tpu.memref_slice %arg8[%dma_start3A_336, %dma_start3A_337] : memref<200x64xf32, #tpu.memory_space<vmem>> -> memref<96x64xf32, #tpu.memory_space<vmem>>
        %dma_start3A_339 = arith.constant 0 : i32
        %dma_start3A_340 = tpu.memref_slice %arg5[%add3A_335, %dma_start3A_339] : memref<128x200xi32, #tpu.memory_space<vmem>> -> memref<1x96xi32, #tpu.memory_space<vmem>>
        %dma_start3A_341 = tpu.memref_squeeze %dma_start3A_340 : memref<1x96xi32, #tpu.memory_space<vmem>> -> memref<96xi32, #tpu.memory_space<vmem>>
        %dma_start3A_342 = arith.constant 0 : i32
        %dma_start3A_343 = arith.constant 0 : i32
        %dma_start3A_344 = tpu.memref_slice %arg3[%dma_start3A_342, %dma_start3A_343] : memref<100000x64xf32, #tpu.memory_space<hbm>> -> memref<100000x64xf32, #tpu.memory_space<hbm>>
        tpu.enqueue_indirect_dma source(%dma_start3A_344 : memref<100000x64xf32, #tpu.memory_space<hbm>>) target(%dma_start3A_338 : memref<96x64xf32, #tpu.memory_space<vmem>>) offsets(%dma_start3A_341 : memref<96xi32, #tpu.memory_space<vmem>>) semaphore(%arg12 : memref<!tpu.dma_semaphore, #tpu.memory_space<semaphore_mem>>)
        %dma_start3A_345 = arith.constant 96 : i32
        %dma_start3A_346 = arith.constant 0 : i32
        %dma_start3A_347 = tpu.memref_slice %arg8[%dma_start3A_345, %dma_start3A_346] : memref<200x64xf32, #tpu.memory_space<vmem>> -> memref<104x64xf32, #tpu.memory_space<vmem>>
        %dma_start3A_348 = arith.constant 96 : i32
        %dma_start3A_349 = tpu.memref_slice %arg5[%add3A_335, %dma_start3A_348] : memref<128x200xi32, #tpu.memory_space<vmem>> -> memref<1x104xi32, #tpu.memory_space<vmem>>
        %dma_start3A_350 = tpu.memref_squeeze %dma_start3A_349 : memref<1x104xi32, #tpu.memory_space<vmem>> -> memref<104xi32, #tpu.memory_space<vmem>>
        %dma_start3A_351 = arith.constant 0 : i32
        %dma_start3A_352 = arith.constant 0 : i32
        %dma_start3A_353 = tpu.memref_slice %arg3[%dma_start3A_351, %dma_start3A_352] : memref<100000x64xf32, #tpu.memory_space<hbm>> -> memref<100000x64xf32, #tpu.memory_space<hbm>>
        tpu.enqueue_indirect_dma source(%dma_start3A_353 : memref<100000x64xf32, #tpu.memory_space<hbm>>) target(%dma_start3A_347 : memref<104x64xf32, #tpu.memory_space<vmem>>) offsets(%dma_start3A_350 : memref<104xi32, #tpu.memory_space<vmem>>) semaphore(%arg12 : memref<!tpu.dma_semaphore, #tpu.memory_space<semaphore_mem>>)
        %add3A_354 = arith.constant 3 : i32
        %add3A_355 = arith.addi %mul3A_128, %add3A_354 : i32
        %add3A_356 = arith.addi %mul3A_2, %add3A_355 : i32
        %dma_wait3A_357 = arith.constant 0 : i32
        %dma_wait3A_358 = arith.constant 0 : i32
        %dma_wait3A_359 = tpu.memref_slice %arg4[%add3A_356, %dma_wait3A_357, %dma_wait3A_358] : memref<4096x200x128xf32, #tpu.memory_space<hbm>> -> memref<1x200x64xf32, #tpu.memory_space<hbm>>
        %dma_wait3A_360 = tpu.memref_squeeze %dma_wait3A_359 : memref<1x200x64xf32, #tpu.memory_space<hbm>> -> memref<200x64xf32, #tpu.memory_space<hbm>>
        %dma_wait3A_361 = arith.constant 0 : i32
        %dma_wait3A_362 = arith.constant 0 : i32
        %dma_wait3A_363 = tpu.memref_slice %arg4[%add3A_356, %dma_wait3A_361, %dma_wait3A_362] : memref<4096x200x128xf32, #tpu.memory_space<hbm>> -> memref<1x200x64xf32, #tpu.memory_space<hbm>>
        %dma_wait3A_364 = tpu.memref_squeeze %dma_wait3A_363 : memref<1x200x64xf32, #tpu.memory_space<hbm>> -> memref<200x64xf32, #tpu.memory_space<hbm>>
        tpu.wait_dma2 semaphore(%arg17 : memref<!tpu.dma_semaphore, #tpu.memory_space<semaphore_mem>>) src(%arg9 : memref<200x64xf32, #tpu.memory_space<vmem>>) dst(%dma_wait3A_364 : memref<200x64xf32, #tpu.memory_space<hbm>>)
        %add3A_365 = arith.constant 4 : i32
        %add3A_366 = arith.addi %mul3A_128, %add3A_365 : i32
        %add3A_367 = arith.constant 3 : i32
        %add3A_368 = arith.addi %add3A_366, %add3A_367 : i32
        %dma_start3A_369 = arith.constant 0 : i32
        %dma_start3A_370 = arith.constant 0 : i32
        %dma_start3A_371 = tpu.memref_slice %arg9[%dma_start3A_369, %dma_start3A_370] : memref<200x64xf32, #tpu.memory_space<vmem>> -> memref<96x64xf32, #tpu.memory_space<vmem>>
        %dma_start3A_372 = arith.constant 0 : i32
        %dma_start3A_373 = tpu.memref_slice %arg5[%add3A_368, %dma_start3A_372] : memref<128x200xi32, #tpu.memory_space<vmem>> -> memref<1x96xi32, #tpu.memory_space<vmem>>
        %dma_start3A_374 = tpu.memref_squeeze %dma_start3A_373 : memref<1x96xi32, #tpu.memory_space<vmem>> -> memref<96xi32, #tpu.memory_space<vmem>>
        %dma_start3A_375 = arith.constant 0 : i32
        %dma_start3A_376 = arith.constant 0 : i32
        %dma_start3A_377 = tpu.memref_slice %arg3[%dma_start3A_375, %dma_start3A_376] : memref<100000x64xf32, #tpu.memory_space<hbm>> -> memref<100000x64xf32, #tpu.memory_space<hbm>>
        tpu.enqueue_indirect_dma source(%dma_start3A_377 : memref<100000x64xf32, #tpu.memory_space<hbm>>) target(%dma_start3A_371 : memref<96x64xf32, #tpu.memory_space<vmem>>) offsets(%dma_start3A_374 : memref<96xi32, #tpu.memory_space<vmem>>) semaphore(%arg13 : memref<!tpu.dma_semaphore, #tpu.memory_space<semaphore_mem>>)
        %dma_start3A_378 = arith.constant 96 : i32
        %dma_start3A_379 = arith.constant 0 : i32
        %dma_start3A_380 = tpu.memref_slice %arg9[%dma_start3A_378, %dma_start3A_379] : memref<200x64xf32, #tpu.memory_space<vmem>> -> memref<104x64xf32, #tpu.memory_space<vmem>>
        %dma_start3A_381 = arith.constant 96 : i32
        %dma_start3A_382 = tpu.memref_slice %arg5[%add3A_368, %dma_start3A_381] : memref<128x200xi32, #tpu.memory_space<vmem>> -> memref<1x104xi32, #tpu.memory_space<vmem>>
        %dma_start3A_383 = tpu.memref_squeeze %dma_start3A_382 : memref<1x104xi32, #tpu.memory_space<vmem>> -> memref<104xi32, #tpu.memory_space<vmem>>
        %dma_start3A_384 = arith.constant 0 : i32
        %dma_start3A_385 = arith.constant 0 : i32
        %dma_start3A_386 = tpu.memref_slice %arg3[%dma_start3A_384, %dma_start3A_385] : memref<100000x64xf32, #tpu.memory_space<hbm>> -> memref<100000x64xf32, #tpu.memory_space<hbm>>
        tpu.enqueue_indirect_dma source(%dma_start3A_386 : memref<100000x64xf32, #tpu.memory_space<hbm>>) target(%dma_start3A_380 : memref<104x64xf32, #tpu.memory_space<vmem>>) offsets(%dma_start3A_383 : memref<104xi32, #tpu.memory_space<vmem>>) semaphore(%arg13 : memref<!tpu.dma_semaphore, #tpu.memory_space<semaphore_mem>>)
      } else {
      }
    }
    %scan3A_86 = arith.constant 32 : i32
    %add3A_87 = arith.constant 124 : i32
    %add3A_88 = arith.addi %mul3A_2, %add3A_87 : i32
    %dma_wait3A = arith.constant 0 : i32
    %dma_wait3A_89 = arith.constant 0 : i32
    %dma_wait3A_90 = tpu.memref_slice %arg4[%add3A_88, %dma_wait3A, %dma_wait3A_89] : memref<4096x200x128xf32, #tpu.memory_space<hbm>> -> memref<1x200x64xf32, #tpu.memory_space<hbm>>
    %dma_wait3A_91 = tpu.memref_squeeze %dma_wait3A_90 : memref<1x200x64xf32, #tpu.memory_space<hbm>> -> memref<200x64xf32, #tpu.memory_space<hbm>>
    %dma_wait3A_92 = arith.constant 0 : i32
    %dma_wait3A_93 = arith.constant 0 : i32
    %dma_wait3A_94 = tpu.memref_slice %arg4[%add3A_88, %dma_wait3A_92, %dma_wait3A_93] : memref<4096x200x128xf32, #tpu.memory_space<hbm>> -> memref<1x200x64xf32, #tpu.memory_space<hbm>>
    %dma_wait3A_95 = tpu.memref_squeeze %dma_wait3A_94 : memref<1x200x64xf32, #tpu.memory_space<hbm>> -> memref<200x64xf32, #tpu.memory_space<hbm>>
    tpu.wait_dma2 semaphore(%arg14 : memref<!tpu.dma_semaphore, #tpu.memory_space<semaphore_mem>>) src(%arg6 : memref<200x64xf32, #tpu.memory_space<vmem>>) dst(%dma_wait3A_95 : memref<200x64xf32, #tpu.memory_space<hbm>>)
    %add3A_96 = arith.constant 125 : i32
    %add3A_97 = arith.addi %mul3A_2, %add3A_96 : i32
    %dma_wait3A_98 = arith.constant 0 : i32
    %dma_wait3A_99 = arith.constant 0 : i32
    %dma_wait3A_100 = tpu.memref_slice %arg4[%add3A_97, %dma_wait3A_98, %dma_wait3A_99] : memref<4096x200x128xf32, #tpu.memory_space<hbm>> -> memref<1x200x64xf32, #tpu.memory_space<hbm>>
    %dma_wait3A_101 = tpu.memref_squeeze %dma_wait3A_100 : memref<1x200x64xf32, #tpu.memory_space<hbm>> -> memref<200x64xf32, #tpu.memory_space<hbm>>
    %dma_wait3A_102 = arith.constant 0 : i32
    %dma_wait3A_103 = arith.constant 0 : i32
    %dma_wait3A_104 = tpu.memref_slice %arg4[%add3A_97, %dma_wait3A_102, %dma_wait3A_103] : memref<4096x200x128xf32, #tpu.memory_space<hbm>> -> memref<1x200x64xf32, #tpu.memory_space<hbm>>
    %dma_wait3A_105 = tpu.memref_squeeze %dma_wait3A_104 : memref<1x200x64xf32, #tpu.memory_space<hbm>> -> memref<200x64xf32, #tpu.memory_space<hbm>>
    tpu.wait_dma2 semaphore(%arg15 : memref<!tpu.dma_semaphore, #tpu.memory_space<semaphore_mem>>) src(%arg7 : memref<200x64xf32, #tpu.memory_space<vmem>>) dst(%dma_wait3A_105 : memref<200x64xf32, #tpu.memory_space<hbm>>)
    %add3A_106 = arith.constant 126 : i32
    %add3A_107 = arith.addi %mul3A_2, %add3A_106 : i32
    %dma_wait3A_108 = arith.constant 0 : i32
    %dma_wait3A_109 = arith.constant 0 : i32
    %dma_wait3A_110 = tpu.memref_slice %arg4[%add3A_107, %dma_wait3A_108, %dma_wait3A_109] : memref<4096x200x128xf32, #tpu.memory_space<hbm>> -> memref<1x200x64xf32, #tpu.memory_space<hbm>>
    %dma_wait3A_111 = tpu.memref_squeeze %dma_wait3A_110 : memref<1x200x64xf32, #tpu.memory_space<hbm>> -> memref<200x64xf32, #tpu.memory_space<hbm>>
    %dma_wait3A_112 = arith.constant 0 : i32
    %dma_wait3A_113 = arith.constant 0 : i32
    %dma_wait3A_114 = tpu.memref_slice %arg4[%add3A_107, %dma_wait3A_112, %dma_wait3A_113] : memref<4096x200x128xf32, #tpu.memory_space<hbm>> -> memref<1x200x64xf32, #tpu.memory_space<hbm>>
    %dma_wait3A_115 = tpu.memref_squeeze %dma_wait3A_114 : memref<1x200x64xf32, #tpu.memory_space<hbm>> -> memref<200x64xf32, #tpu.memory_space<hbm>>
    tpu.wait_dma2 semaphore(%arg16 : memref<!tpu.dma_semaphore, #tpu.memory_space<semaphore_mem>>) src(%arg8 : memref<200x64xf32, #tpu.memory_space<vmem>>) dst(%dma_wait3A_115 : memref<200x64xf32, #tpu.memory_space<hbm>>)
    %add3A_116 = arith.constant 127 : i32
    %add3A_117 = arith.addi %mul3A_2, %add3A_116 : i32
    %dma_wait3A_118 = arith.constant 0 : i32
    %dma_wait3A_119 = arith.constant 0 : i32
    %dma_wait3A_120 = tpu.memref_slice %arg4[%add3A_117, %dma_wait3A_118, %dma_wait3A_119] : memref<4096x200x128xf32, #tpu.memory_space<hbm>> -> memref<1x200x64xf32, #tpu.memory_space<hbm>>
    %dma_wait3A_121 = tpu.memref_squeeze %dma_wait3A_120 : memref<1x200x64xf32, #tpu.memory_space<hbm>> -> memref<200x64xf32, #tpu.memory_space<hbm>>
    %dma_wait3A_122 = arith.constant 0 : i32
    %dma_wait3A_123 = arith.constant 0 : i32
    %dma_wait3A_124 = tpu.memref_slice %arg4[%add3A_117, %dma_wait3A_122, %dma_wait3A_123] : memref<4096x200x128xf32, #tpu.memory_space<hbm>> -> memref<1x200x64xf32, #tpu.memory_space<hbm>>
    %dma_wait3A_125 = tpu.memref_squeeze %dma_wait3A_124 : memref<1x200x64xf32, #tpu.memory_space<hbm>> -> memref<200x64xf32, #tpu.memory_space<hbm>>
    tpu.wait_dma2 semaphore(%arg17 : memref<!tpu.dma_semaphore, #tpu.memory_space<semaphore_mem>>) src(%arg9 : memref<200x64xf32, #tpu.memory_space<vmem>>) dst(%dma_wait3A_125 : memref<200x64xf32, #tpu.memory_space<hbm>>)
    return
  }
}

</mosaic_0001>

<sc_bundles>
// kernel: kernel.3.cloned.1.call-start
scs
__scs_entry_jumppad:
0x0: {  	(pc) =	sbr.rel $0x88, $3  }
0x1: {  	(tag) =	ssettag $0x0;
	lr =	simm.s32 $0x1  }
0x2: {  	[smem:$0x3F9F] =	sst lr;
	_ =	strace $0xD0000000  }
0x3: {  	_ = 	snop  }
0x4: {  	_ = 	snop  }
0x5: {  	_ = 	snop  }
0x6: {  	_ = 	snop  }
0x7: {  	_ = 	snop  }
__scs_overlays_trampoline_lowered:
0x8: {  	[smem:$0x3FAE] =	sst s0  }
0x9: {  	[smem:$0x3FAF] =	sst s1  }
0xa: {  	[smem:$0x3FB0] =	sst s2  }
0xb: {  	[smem:$0x3FB1] =	sst s3  }
0xc: {  	[smem:$0x3FB2] =	sst s4  }
0xd: {  	[smem:$0x3FB3] =	sst s5  }
0xe: {  	[smem:$0x3FB4] =	sst s6  }
0xf: {  	[smem:$0x3FB5] =	sst s7  }
0x10: {  	[smem:$0x3FB6] =	sst s8  }
0x11: {  	[smem:$0x3FB7] =	sst s9;
	s0 =	simm.s32 @!p0 $0x0  }
0x12: {  	s1 =	sld [smem:$0x3F9D];
	s0 =	simm.s32 @p0 $0x1  }
0x13: {  	[smem:$0x3FB8] =	sst s0;
	s0 =	simm.s32 @!p1 $0x0  }
0x14: {  	s2 =	sld [smem:$0x3F9C];
	s0 =	simm.s32 @p1 $0x1  }
0x15: {  	[smem:$0x3FB9] =	sst s0;
	s0 =	simm.s32 @!p2 $0x0  }
0x16: {  	s3 =	sld [smem:$0x3FDB];
	s0 =	simm.s32 @p2 $0x1  }
0x17: {  	s4 =	simm.s32 $0x1BF5;
	[smem:$0x3FBB] =	sst s0  }
0x18: {  	s0 =	sld [smem:$0x3F9E];
	_ =	swait.ge [sflag:s4], $0x0  }
0x19: {  	s7 =	sld [smem:$0x3F9F]  }
0x1a: {  	s8 =	sadd.s32 $0xFFFFE003, lr  }
0x1b: {  	s9 =	sadd.s32 $0xFFFFFEF7, lr;
	s5 =	simm.s32 $0xFFFFFFFF;
	p2 =	slt.u32 s8, $0xFFFFF086  }
0x1c: {  	p1 =	slt.u32 s9, $0xF7A;
	s5 =	simm.s32 @!p2 $0x0  }
0x1d: {  	s5 =	simm.s32 @p1 $0x1;
	p0 =	seq.s32 s7, s2  }
0x1e: {  	s7 =	smul.u32 @!p0 $0xF7A, s2;
	p2 =	seq.s32 @!p0 s5, $0x0  }
0x1f: {  	s9 =	smul.u32 $0xF7A, s1;
	s8 =	simm.s32 @!p0 $0x1BF5;
	p2 =	por !p2, p0  }
0x20: {  	[sflag:s8] =	ssyncset.s32 @!p0 $0xFFFFF086;
	s6 =	sadd.s32 @!p0 s3, s7;
	s7 =	simm.s32 @!p0 $0x108  }
0x21: {  	s3 =	sadd.s32 s3, s9;
	s6 =	sadd.s32 @!p0 $0x88, s6;
	s7 =	simm.s32 @p2 $0x1082  }
0x22: {  	[simem:s7], [sflag:s8] =	dma.local @!p0 [hbm:s6], $0xF7A  }
0x23: {  	s9 =	sor.u32 $0xD0000000, s2;
	s6 =	simm.s32 $0x108;
	_ =	swait.ge @!p0 [sflag:s8], $0x0  }
0x24: {  	s3 =	sadd.s32 $0x88, s3;
	s6 =	simm.s32 @!p1 $0x1082;
	[sflag:s4] =	ssyncset.s32 $0xFFFFF086  }
0x25: {  	[simem:s6], [sflag:s4] =	dma.local [hbm:s3], $0xF7A  }
0x26: {  	[smem:$0x3F9F] =	sst s1;
	(tag) =	ssettag s2;
	_ =	strace s9  }
0x27: {  	s1 =	sld [smem:$0x3FAF]  }
0x28: {  	s2 =	sld [smem:$0x3FB0]  }
0x29: {  	s4 =	sld [smem:$0x3FB2]  }
0x2a: {  	p0 =	seq.s32 s5, $0x0;
	s5 =	sld [smem:$0x3FB3]  }
0x2b: {  	s6 =	sld [smem:$0x3FB4]  }
0x2c: {  	s7 =	sld [smem:$0x3FB5]  }
0x2d: {  	s3 =	simm.s32 $0x108;
	s8 =	sld [smem:$0x3FB6]  }
0x2e: {  	s3 =	simm.s32 @!p0 $0x1082;
	s9 =	sld [smem:$0x3FB7]  }
0x2f: {  	lr =	sadd.s32 s0, s3;
	s0 =	sld [smem:$0x3FAE]  }
0x30: {  	s3 =	sld [smem:$0x3FB1]  }
0x31: {  	[smem:$0x3FBA] =	sst s10  }
0x32: {  	s10 =	sld [smem:$0x3FB8];
	_ =	sdelay $0x3  }
0x33: {  	p0 =	seq.s32 s10, $0x1;
	s10 =	sld [smem:$0x3FBA];
	_ =	sdelay $0x3  }
0x34: {  	[smem:$0x3FBA] =	sst s10  }
0x35: {  	s10 =	sld [smem:$0x3FB9];
	_ =	sdelay $0x3  }
0x36: {  	p1 =	seq.s32 s10, $0x1;
	s10 =	sld [smem:$0x3FBA];
	_ =	sdelay $0x3  }
0x37: {  	[smem:$0x3FBA] =	sst s10  }
0x38: {  	s10 =	sld [smem:$0x3FBB]  }
0x39: {  	_ = 	snop;
	(pc) =	sbr.ind lr, $3  }
0x3a: {  	_ = 	snop  }
0x3b: {  	_ = 	snop  }
0x3c: {  	p2 =	seq.s32 s10, $0x1;
	s10 =	sld [smem:$0x3FBA]  }
0x3d: {  	_ =	shalt  }
0x3e: {  	_ =	shalt  }
0x3f: {  	_ =	shalt  }
0x40: {  	_ =	shalt  }
0x41: {  	_ =	shalt  }
0x42: {  	_ =	shalt  }
0x43: {  	_ =	shalt  }
0x44: {  	_ =	shalt  }
0x45: {  	_ =	shalt  }
0x46: {  	_ =	shalt  }
0x47: {  	_ =	shalt  }
0x48: {  	_ =	shalt  }
0x49: {  	_ =	shalt  }
0x4a: {  	_ =	shalt  }
0x4b: {  	_ =	shalt  }
0x4c: {  	_ =	shalt  }
0x4d: {  	_ =	shalt  }
0x4e: {  	_ =	shalt  }
0x4f: {  	_ =	shalt  }
0x50: {  	_ =	shalt  }
0x51: {  	_ =	shalt  }
0x52: {  	_ =	shalt  }
0x53: {  	_ =	shalt  }
0x54: {  	_ =	shalt  }
0x55: {  	_ =	shalt  }
0x56: {  	_ =	shalt  }
0x57: {  	_ =	shalt  }
0x58: {  	_ =	shalt  }
0x59: {  	_ =	shalt  }
0x5a: {  	_ =	shalt  }
0x5b: {  	_ =	shalt  }
0x5c: {  	_ =	shalt  }
0x5d: {  	_ =	shalt  }
0x5e: {  	_ =	shalt  }
0x5f: {  	_ =	shalt  }
0x60: {  	_ =	shalt  }
0x61: {  	_ =	shalt  }
0x62: {  	_ =	shalt  }
0x63: {  	_ =	shalt  }
0x64: {  	_ =	shalt  }
0x65: {  	_ =	shalt  }
0x66: {  	_ =	shalt  }
0x67: {  	_ =	shalt  }
0x68: {  	_ =	shalt  }
0x69: {  	_ =	shalt  }
0x6a: {  	_ =	shalt  }
0x6b: {  	_ =	shalt  }
0x6c: {  	_ =	shalt  }
0x6d: {  	_ =	shalt  }
0x6e: {  	_ =	shalt  }
0x6f: {  	_ =	shalt  }
0x70: {  	_ =	shalt  }
0x71: {  	_ =	shalt  }
0x72: {  	_ =	shalt  }
0x73: {  	_ =	shalt  }
0x74: {  	_ =	shalt  }
0x75: {  	_ =	shalt  }
0x76: {  	_ =	shalt  }
0x77: {  	_ =	shalt  }
0x78: {  	_ =	shalt  }
0x79: {  	_ =	shalt  }
0x7a: {  	_ =	shalt  }
0x7b: {  	_ =	shalt  }
0x7c: {  	_ =	shalt  }
0x7d: {  	_ =	shalt  }
0x7e: {  	_ =	shalt  }
0x7f: {  	_ =	shalt  }
0x80: {  	_ =	shalt  }
0x81: {  	_ =	shalt  }
0x82: {  	_ =	shalt  }
0x83: {  	_ =	shalt  }
0x84: {  	_ =	shalt  }
0x85: {  	_ =	shalt  }
0x86: {  	_ =	shalt  }
0x87: {  	_ =	shalt  }
.Lfunc_end0:
.L_simem_size_0:
called_computation.1_lowered:
.L_overlay_start_0:
0x88: {  	s2 =	sld [smem:$0x3FD9]  }
0x89: {  	s3 =	sld [smem:$0x3FFE];
	_ =	sdelay $0x1  }
0x8a: {  	s1 =	srdreg.scid  }
0x8b: {  	s0 =	sand.u32 $0x1, s1  }
0x8c: {  	s16 =	sshll.u32 s0, $0xA;
	s2 =	sadd.s32 s3, s2  }
0x8d: {  	s2 =	sadd.s32 s2, s16  }
0x8e: {  	[smem:$0x3FC6] =	sst s2  }
0x8f: {  	_ = 	snop  }
0x90: {  	(tm) =	ssettm $0x1  }
0x91: {  	s17 =	sld [smem:$0x3FFB];
	_ =	sdelay $0x3  }
0x92: {  	_ =	strace s17  }
0x93: {  	s2 =	sld [smem:$0x3FFC];
	_ =	sdelay $0x3  }
0x94: {  	_ =	strace s2  }
0x95: {  	s2 =	sld [smem:$0x3FFD];
	_ =	sdelay $0x3  }
0x96: {  	_ =	strace s2  }
0x97: {  	_ =	strace $0x8FFFFFFF  }
0x98: {  	s18 =	sld [smem:$0x3FDB];
	_ =	sdelay $0x1  }
0x99: {  	s19 =	simm.s32 $_scs_section_size  }
0x9a: {  	s4 =	simm.s32 $_size__tile_overlayer_lowered;
	s5 =	simm.s32 $_tile_overlayer_lowered  }
0x9b: {  	s22 =	simm.s32 $0x1BFF;
	s21 =	sshll.u32 s5, $0x1;
	s2 =	sadd.s32 s19, s18  }
0x9c: {  	s6 =	simm.s32 $0x0;
	s20 =	sshll.u32 s4, $0x1;
	s4 =	sadd.s32 s21, s2  }
0x9d: {  	[timem:s6], [sflag:s22] =	dma.local [hbm:s4], s20  }
0x9e: {  	_ =	swait.ge [sflag:s22], s20  }
0x9f: {  	s3 =	ssub.s32 $0x0, s20;
	[sflag:s22] =	ssyncset.done $0x0  }
0xa0: {  	[sflag:s22] =	ssyncadd.s32 s3;
	_ =	sdelay $0x1  }
0xa1: {  	s23 =	simm.s32 $0x1B8B  }
0xa2: {  	_ =	swait.ge [sflag:s23], $0x1  }
0xa3: {  	[sflag:s23] =	ssyncset.done $0x0  }
0xa4: {  	s25 =	simm.s32 $0x1B8E;
	s24 =	sld [smem:$0x3FFE];
	[sflag:s23] =	ssyncadd.s32 $0xFFFFFFFF  }
0xa5: {  	s26 =	simm.s32 $execute0_lowered;
	[smem:$0x3FD2] =	sst s25  }
0xa6: {  	s4 =	sshll.u32 s26, $0x1;
	_ =	strace $0x80000046;
	[dreg:$0x1] =	wrdreg $0xFFFFFFFF  }
0xa7: {  	s28 =	simm.s32 $_size_execute0_lowered;
	s2 =	sadd.s32 s2, s4;
	[dreg:$0x0] =	wrdreg $0x0  }
0xa8: {  	s4 =	sshll.u32 s28, $0x1;
	[dreg:$0x2] =	wrdreg s2  }
0xa9: {  	[dreg:$0x3] =	wrdreg s4  }
0xaa: {  	[dreg:$0x4] =	wrdreg $0xC0  }
0xab: {  	_ =	task [dreg:s6], $0x5FFFF  }
0xac: {  	[dreg:$0x1] =	wrdreg $0xFFFFFFFF  }
0xad: {  	[dreg:$0x0] =	wrdreg $0x60  }
0xae: {  	[dreg:$0x2] =	wrdreg s24  }
0xaf: {  	[dreg:$0x3] =	wrdreg $0x9  }
0xb0: {  	_ =	task.clear_ibuf [dreg:s6], $0x4FFFF;
	_ =	strace $0x90000046  }
0xb1: {  	s29 =	simm.s32 $0x9;
	_ =	strace $0x80000048  }
0xb2: {  	_ =	swait.ge [sflag:s29], $0x1  }
0xb3: {  	[sflag:s29] =	ssyncadd.s32 $0xFFFFFFFF  }
0xb4: {  	_ =	strace $0x90000048  }
0xb5: {  	_ =	sfence  }
0xb6: {  	s30 =	sld [smem:$0x0];
	_ =	sdelay $0x2  }
0xb7: {  	s31 =	sshll.u32 s1, $0xD;
	s1 =	sshrl.u32 s1, $0x2  }
0xb8: {  	s3 =	sand.u32 $0x4000, s31;
	s1 =	sadd.s32 s1, s30  }
0xb9: {  	s0 =	sor.u32 s3, s0;
	s1 =	sshll.u32 s1, $0x11  }
0xba: {  	s0 =	sor.u32 s1, s0  }
0xbb: {  	s0 =	sadd.s32 $0x8F2B, s0  }
0xbc: {  	[sflag:s0] =	ssyncadd.remote.s32 $0x1  }
0xbd: {  	_ =	sfence.sel $0xFFFF  }
0xbe: {  	[dreg:$0x0] =	wrdreg $0xFFFFFFFF;
	(pc) =	sbr.abs _section_cstart, $3  }
0xbf: {  	[dreg:$0x1] =	wrdreg $0xFFFFFFFF  }
0xc0: {  	_ =	task.clear_ibuf [dreg:s6], $0x2FFFF;
	_ =	strace $0x9FFFFFFF  }
0xc1: {  	(tm) =	ssettm $0x7FFFFFFF  }
tec
execute0_lowered:
.L_overlay_start_1:
0x0: {  	(tag) =	ssettag $0x1  }
0x1: {  	s0 =	srdreg.scid  }
0x2: {  	s5 =	stileid.u32;
	s1 =	rddreg [dreg:$0x0];
	s2 =	simm.s32 $0x0  }
0x3: {  	s7 =	simm.s32 $0x9;
	s8 =	simm.s32 $0x60;
	s9 =	simm.s32 $0x6400  }
0x4: {  	s10 =	simm.s32 $0x68;
	s11 =	simm.s32 $0x7C00;
	s13 =	simm.s32 $0x9600  }
0x5: {  	s15 =	simm.s32 $0xAE00;
	s17 =	simm.s32 $0xC800;
	s19 =	simm.s32 $0xE000  }
0x6: {  	s21 =	simm.s32 $0xFA00;
	s23 =	simm.s32 $0x11200;
	s28 =	simm.s32 $0x2  }
0x7: {  	s29 =	simm.s32 $0x3;
	s30 =	simm.s32 $0x4;
	s31 =	simm.s32 $0x5  }
0x8: {  	s12 =	simm.s32 $0x8;
	s14 =	simm.s32 $0x0;
	s0 =	sand.u32 $0x1, s0  }
0x9: {  	s3 =	sshll.u32 s5, $0x8;
	s24 =	smul.u32 $0xC8000, s5;
	s4 =	sshll.u32 s0, $0x7  }
0xa: {  	s6 =	ssub.s32 $0x2, s0;
	s0 =	smul.u32 $0x64000, s0;
	s3 =	sor.u32 s4, s3  }
0xb: {  	[smem:$0x7FF] =	sst s2;
	s26 =	sshrl.u32 s6, $0x1;
	s3 =	smul.u32 $0x19, s3  }
.Ltmp0:
0xc: {  	_ =	strace $0x80000047;
	s6 =	ssub.s32 s6, s26;
	(pc) =	sbr.rel .LBB2_1-.Ltmp0, $4  }
0xd: {  	s26 =	simm.s32 $0x80;
	s5 =	smax.u32 s6, $0x1;
	s25 =	sadd.s32 s3, s1  }
0xe: {  	s3 =	sadd.s32 $0x19800, s1;
	s1 =	sadd.s32 s24, s1;
	s24 =	simm.s32 $0x1  }
0xf: {  	s4 =	sadd.s32 $0x800, s25;
	s0 =	sadd.s32 s0, s1;
	s25 =	simm.s32 $0x40  }
0x10: {  	s1 =	simm.s32 $0x6;
	s16 =	sadd.s32 $0xDCE00, s0;
	s0 =	simm.s32 $0x7  }
.LBB2_4:
0x11: {  	_ =	swait.ge [sflag:s1], $0x3200  }
0x12: {  	[sflag:s1] =	ssyncset.done $0x0  }
0x13: {  	s14 =	sadd.s32 $0x1, s14;
	[sflag:s1] =	ssyncadd.s32 $0xFFFFCE00  }
0x14: {  	p0 =	sne.s32 s14, s5;
	_ =	swait.ge [sflag:s0], $0x3200  }
.Ltmp1:
0x15: {  	[sflag:s0] =	ssyncset.done $0x0;
	(pc) =	sbr.rel @!p0 .LBB2_5-.Ltmp1, $4  }
0x16: {  	[sflag:s0] =	ssyncadd.s32 $0xFFFFCE00  }
0x17: {  	_ =	swait.ge [sflag:s12], $0x3200  }
0x18: {  	[sflag:s12] =	ssyncset.done $0x0  }
0x19: {  	[sflag:s12] =	ssyncadd.s32 $0xFFFFCE00  }
.LBB2_1:
0x1a: {  	[tilespmem:s2], [sflag:$0x9] =	stream.linear.gather [hbm4b:s4+s2], $0x6400, $0x38;
	[tilespmem:$0x12C00] =	vst v63  }
0x1b: {  	_ =	swait.ge [sflag:s7], $0x6400  }
0x1c: {  	[sflag:s7] =	ssyncset.done $0x0  }
0x1d: {  	[sflag:s7] =	ssyncadd.s32 $0xFFFF9C00  }
0x1e: {  	[tilespmem:s9], [sflag:$0x1] =	stream.indirect.gather [hbm4b:s3+s8], $0x40, s2, s8, $0xb8;
	[tilespmem:$0x12C00] =	vst v63  }
0x1f: {  	_ = 	snop  }
0x20: {  	[tilespmem:s11], [sflag:$0x1] =	stream.indirect.gather [hbm4b:s3+s10], $0x40, s8, s10, $0xb8;
	[tilespmem:$0x12C00] =	vst v63  }
0x21: {  	s6 =	simm.s32 $0xC8  }
0x22: {  	[tilespmem:s13], [sflag:$0x2] =	stream.indirect.gather [hbm4b:s3+s8], $0x40, s6, s8, $0xb8;
	[tilespmem:$0x12C00] =	vst v63  }
0x23: {  	s20 =	simm.s32 $0x128  }
0x24: {  	[tilespmem:s15], [sflag:$0x2] =	stream.indirect.gather [hbm4b:s3+s10], $0x40, s20, s10, $0xb8;
	[tilespmem:$0x12C00] =	vst v63  }
0x25: {  	s22 =	simm.s32 $0x190  }
0x26: {  	[tilespmem:s17], [sflag:$0x3] =	stream.indirect.gather [hbm4b:s3+s8], $0x40, s22, s8, $0xb8;
	[tilespmem:$0x12C00] =	vst v63  }
0x27: {  	s18 =	simm.s32 $0x1F0  }
0x28: {  	[tilespmem:s19], [sflag:$0x3] =	stream.indirect.gather [hbm4b:s3+s10], $0x40, s18, s10, $0xb8;
	[tilespmem:$0x12C00] =	vst v63  }
0x29: {  	s20 =	simm.s32 $0x258  }
0x2a: {  	[tilespmem:s21], [sflag:$0x4] =	stream.indirect.gather [hbm4b:s3+s8], $0x40, s20, s8, $0xb8;
	[tilespmem:$0x12C00] =	vst v63  }
0x2b: {  	s6 =	smov.u32 s16;
	s22 =	simm.s32 $0x2B8;
	s18 =	simm.s32 $0x0  }
0x2c: {  	[tilespmem:s23], [sflag:$0x4] =	stream.indirect.gather [hbm4b:s3+s10], $0x40, s22, s10, $0xb8;
	[tilespmem:$0x12C00] =	vst v63  }
.LBB2_2:
0x2d: {  	_ =	swait.ge [sflag:s24], $0x1800  }
0x2e: {  	[sflag:s24] =	ssyncset.done $0x0  }
0x2f: {  	[sflag:s24] =	ssyncadd.s32 $0xFFFFE800  }
0x30: {  	_ =	swait.ge [sflag:s24], $0x1A00  }
0x31: {  	[sflag:s24] =	ssyncset.done $0x0  }
0x32: {  	[sflag:s24] =	ssyncadd.s32 $0xFFFFE600  }
0x33: {  	[hbm4b:s6+s25] =	stream.strided.scatter [tilespmem:s9], [sflag:$0x5], $0x3200, s26, s25, $0x38;
	[tilespmem:$0x12C00] =	vst v63  }
0x34: {  	_ =	swait.ge [sflag:s28], $0x1800  }
0x35: {  	[sflag:s28] =	ssyncset.done $0x0  }
0x36: {  	[sflag:s28] =	ssyncadd.s32 $0xFFFFE800  }
0x37: {  	_ =	swait.ge [sflag:s28], $0x1A00  }
0x38: {  	[sflag:s28] =	ssyncset.done $0x0  }
0x39: {  	s20 =	sadd.s32 $0xC80, s6;
	[sflag:s28] =	ssyncadd.s32 $0xFFFFE600  }
0x3a: {  	[hbm4b:s20+s25] =	stream.strided.scatter [tilespmem:s13], [sflag:$0x6], $0x3200, s26, s25, $0x38;
	[tilespmem:$0x12C00] =	vst v63  }
0x3b: {  	_ =	swait.ge [sflag:s29], $0x1800  }
0x3c: {  	[sflag:s29] =	ssyncset.done $0x0  }
0x3d: {  	[sflag:s29] =	ssyncadd.s32 $0xFFFFE800  }
0x3e: {  	_ =	swait.ge [sflag:s29], $0x1A00  }
0x3f: {  	[sflag:s29] =	ssyncset.done $0x0  }
0x40: {  	s22 =	sadd.s32 $0x1900, s6;
	[sflag:s29] =	ssyncadd.s32 $0xFFFFE600  }
0x41: {  	[hbm4b:s22+s25] =	stream.strided.scatter [tilespmem:s17], [sflag:$0x7], $0x3200, s26, s25, $0x38;
	[tilespmem:$0x12C00] =	vst v63  }
0x42: {  	_ =	swait.ge [sflag:s30], $0x1800  }
0x43: {  	[sflag:s30] =	ssyncset.done $0x0  }
0x44: {  	[sflag:s30] =	ssyncadd.s32 $0xFFFFE800  }
0x45: {  	_ =	swait.ge [sflag:s30], $0x1A00  }
0x46: {  	p0 =	seq.s32 s18, $0x18380;
	[sflag:s30] =	ssyncset.done $0x0  }
.Ltmp2:
0x47: {  	s22 =	sadd.s32 $0x2580, s6;
	[sflag:s30] =	ssyncadd.s32 $0xFFFFE600;
	(pc) =	sbr.rel @p0 .LBB2_4-.Ltmp2, $4  }
0x48: {  	[hbm4b:s22+s25] =	stream.strided.scatter [tilespmem:s21], [sflag:$0x8], $0x3200, s26, s25, $0x38;
	[tilespmem:$0x12C00] =	vst v63  }
0x49: {  	_ =	swait.ge [sflag:s31], $0x3200  }
0x4a: {  	[sflag:s31] =	ssyncset.done $0x0  }
0x4b: {  	[sflag:s31] =	ssyncadd.s32 $0xFFFFCE00  }
0x4c: {  	s20 =	sshra.s32 s18, $0x2  }
0x4d: {  	s22 =	sadd.s32 $0x320, s20  }
0x4e: {  	[tilespmem:s9], [sflag:$0x1] =	stream.indirect.gather [hbm4b:s3+s8], $0x40, s22, s8, $0xb8;
	[tilespmem:$0x12C00] =	vst v63  }
0x4f: {  	s22 =	sadd.s32 $0x380, s20  }
0x50: {  	[tilespmem:s11], [sflag:$0x1] =	stream.indirect.gather [hbm4b:s3+s10], $0x40, s22, s10, $0xb8;
	[tilespmem:$0x12C00] =	vst v63  }
0x51: {  	_ =	swait.ge [sflag:s1], $0x3200  }
0x52: {  	[sflag:s1] =	ssyncset.done $0x0  }
0x53: {  	s22 =	sadd.s32 $0x3E8, s20;
	[sflag:s1] =	ssyncadd.s32 $0xFFFFCE00  }
0x54: {  	[tilespmem:s13], [sflag:$0x2] =	stream.indirect.gather [hbm4b:s3+s8], $0x40, s22, s8, $0xb8;
	[tilespmem:$0x12C00] =	vst v63  }
0x55: {  	s22 =	sadd.s32 $0x448, s20  }
0x56: {  	[tilespmem:s15], [sflag:$0x2] =	stream.indirect.gather [hbm4b:s3+s10], $0x40, s22, s10, $0xb8;
	[tilespmem:$0x12C00] =	vst v63  }
0x57: {  	_ =	swait.ge [sflag:s0], $0x3200  }
0x58: {  	[sflag:s0] =	ssyncset.done $0x0  }
0x59: {  	s22 =	sadd.s32 $0x4B0, s20;
	[sflag:s0] =	ssyncadd.s32 $0xFFFFCE00  }
0x5a: {  	[tilespmem:s17], [sflag:$0x3] =	stream.indirect.gather [hbm4b:s3+s8], $0x40, s22, s8, $0xb8;
	[tilespmem:$0x12C00] =	vst v63  }
0x5b: {  	s22 =	sadd.s32 $0x510, s20  }
0x5c: {  	[tilespmem:s19], [sflag:$0x3] =	stream.indirect.gather [hbm4b:s3+s10], $0x40, s22, s10, $0xb8;
	[tilespmem:$0x12C00] =	vst v63  }
0x5d: {  	_ =	swait.ge [sflag:s12], $0x3200  }
.Ltmp3:
0x5e: {  	[sflag:s12] =	ssyncset.done $0x0;
	(pc) =	sbr.rel .LBB2_2-.Ltmp3, $4  }
0x5f: {  	s22 =	sadd.s32 $0x578, s20;
	[sflag:s12] =	ssyncadd.s32 $0xFFFFCE00  }
0x60: {  	[tilespmem:s21], [sflag:$0x4] =	stream.indirect.gather [hbm4b:s3+s8], $0x40, s22, s8, $0xb8;
	[tilespmem:$0x12C00] =	vst v63  }
0x61: {  	s18 =	sadd.s32 $0xC80, s18;
	s6 =	sadd.s32 $0x3200, s6;
	s20 =	sadd.s32 $0x5D8, s20  }
0x62: {  	[tilespmem:s23], [sflag:$0x4] =	stream.indirect.gather [hbm4b:s3+s10], $0x40, s20, s10, $0xb8;
	[tilespmem:$0x12C00] =	vst v63  }
.LBB2_5:
0x63: {  	_ =	sfence.sel $0x180000  }
0x64: {  	[bflag:$0x0] =	sbarrier.arrive $0xFFFF  }
0x65: {  	_ =	strace $0x90000047  }
0x66: {  	s0 =	stileid.u32;
	[bflag:$0x2] =	sbarrier.arrive $0xFFFF  }
0x67: {  	p0 =	sne.s32 s0, $0x0;
	s0 =	rddreg [dreg:$0x1]  }
0x68: {  	s0 =	sadd.s32 @!p0 $0x100000, s0  }
0x69: {  	[sflag:s0] =	ssyncadd.tile.s32 @!p0 $0x1;
	_ =	shalt  }
.Lfunc_end2:
_tile_overlayer_lowered:
.L_overlay_start_2:
0x6a: {  	(tag) =	ssettag $0x2  }
0x6b: {  	s0 =	rddreg [dreg:$0x0];
	s2 =	stileid.u32  }
0x6c: {  	s1 =	rddreg [dreg:$0x1];
	p0 =	sne.s32 s2, $0x0  }
0x6d: {  	s3 =	rddreg [dreg:$0x2];
	[bflag:$0x3] =	sbarrier.arrive $0xFFFF;
	s2 =	simm.s32 @!p0 $0x1C09  }
0x6e: {  	[timem:s3], [sflag:s2] =	dma.local @!p0 [hbm:s0], s1  }
0x6f: {  	s0 =	simm.s32 @!p0 $0x9  }
0x70: {  	_ =	swait.ge @!p0 [sflag:s0], s1  }
0x71: {  	s1 =	ssub.s32 @!p0 $0x0, s1;
	[sflag:s0] =	ssyncset.done @!p0 $0x0  }
0x72: {  	[sflag:s0] =	ssyncadd.s32 @!p0 s1  }
0x73: {  	[bflag:$0x3] =	sbarrier.arrive $0xFFFF  }
0x74: {  	_ =	shalt  }

// kernel: sparse-core-data-format-call.cloned.1.call-start
scs
called_computation_lowered:
.L_overlay_start_0:
0x0: {  	s2 =	sld [smem:$0x3FD9]  }
0x1: {  	s3 =	sld [smem:$0x3FFE];
	_ =	sdelay $0x1  }
0x2: {  	s1 =	srdreg.scid  }
0x3: {  	s0 =	sand.u32 $0x1, s1  }
0x4: {  	s18 =	sshll.u32 s0, $0xA;
	s2 =	sadd.s32 s3, s2  }
0x5: {  	s2 =	sadd.s32 s2, s18  }
0x6: {  	[smem:$0x3FC6] =	sst s2  }
0x7: {  	_ = 	snop  }
0x8: {  	s2 =	sld [smem:$0x3FD0];
	(tm) =	ssettm $0x1  }
0x9: {  	s19 =	sld [smem:$0x3FFB];
	_ =	sdelay $0x3  }
0xa: {  	_ =	strace s19  }
0xb: {  	s3 =	sld [smem:$0x3FFC];
	_ =	sdelay $0x3  }
0xc: {  	_ =	strace s3  }
0xd: {  	s3 =	sld [smem:$0x3FFD];
	_ =	sdelay $0x3  }
0xe: {  	_ =	strace s3  }
0xf: {  	_ =	strace $0x8FFFFFFF  }
0x10: {  	s20 =	sld [smem:$0x3FDB];
	_ =	sdelay $0x1  }
0x11: {  	s4 =	simm.s32 $_scs_section_size  }
0x12: {  	s5 =	simm.s32 $_size__tile_overlayer_lowered;
	s6 =	simm.s32 $_tile_overlayer_lowered  }
0x13: {  	s23 =	simm.s32 $0x1BFF;
	s22 =	sshll.u32 s6, $0x1;
	s3 =	sadd.s32 s4, s20  }
0x14: {  	s7 =	simm.s32 $0x0;
	s21 =	sshll.u32 s5, $0x1;
	s5 =	sadd.s32 s22, s3  }
0x15: {  	[timem:s7], [sflag:s23] =	dma.local [hbm:s5], s21  }
0x16: {  	_ =	swait.ge [sflag:s23], s21  }
0x17: {  	s4 =	ssub.s32 $0x0, s21;
	[sflag:s23] =	ssyncset.done $0x0  }
0x18: {  	[sflag:s23] =	ssyncadd.s32 s4;
	_ =	sdelay $0x1  }
0x19: {  	s24 =	simm.s32 $0x1B8B  }
0x1a: {  	_ =	swait.ge [sflag:s24], $0x1  }
0x1b: {  	[sflag:s24] =	ssyncset.done $0x0  }
0x1c: {  	s26 =	simm.s32 $0x1B8E;
	s25 =	sld [smem:$0x3FFE];
	[sflag:s24] =	ssyncadd.s32 $0xFFFFFFFF  }
0x1d: {  	s27 =	simm.s32 $execute0_lowered;
	[smem:$0x3FD2] =	sst s26  }
0x1e: {  	s5 =	sshll.u32 s27, $0x1;
	_ =	strace $0x80000049;
	[dreg:$0x1] =	wrdreg $0xFFFFFFFF  }
0x1f: {  	s28 =	simm.s32 $_size_execute0_lowered;
	s3 =	sadd.s32 s3, s5;
	[dreg:$0x0] =	wrdreg $0x0  }
0x20: {  	s5 =	sshll.u32 s28, $0x1;
	[dreg:$0x2] =	wrdreg s3  }
0x21: {  	[dreg:$0x3] =	wrdreg s5  }
0x22: {  	[dreg:$0x4] =	wrdreg $0xC0  }
0x23: {  	_ =	task [dreg:s7], $0x5FFFF  }
0x24: {  	[dreg:$0x1] =	wrdreg $0xFFFFFFFF  }
0x25: {  	[dreg:$0x0] =	wrdreg $0x60  }
0x26: {  	[dreg:$0x2] =	wrdreg s25  }
0x27: {  	[dreg:$0x3] =	wrdreg s2  }
0x28: {  	[dreg:$0x4] =	wrdreg $0x9  }
0x29: {  	_ =	task.clear_ibuf [dreg:s7], $0x5FFFF;
	_ =	strace $0x90000049  }
0x2a: {  	s29 =	simm.s32 $0x9;
	_ =	strace $0x8000004B  }
0x2b: {  	_ =	swait.ge [sflag:s29], $0x1  }
0x2c: {  	[sflag:s29] =	ssyncadd.s32 $0xFFFFFFFF  }
0x2d: {  	_ =	strace $0x9000004B  }
0x2e: {  	_ =	sfence  }
0x2f: {  	s30 =	sld [smem:$0x0];
	_ =	sdelay $0x2  }
0x30: {  	s31 =	sshll.u32 s1, $0xD;
	s1 =	sshrl.u32 s1, $0x2  }
0x31: {  	s3 =	sand.u32 $0x4000, s31;
	s1 =	sadd.s32 s1, s30  }
0x32: {  	s0 =	sor.u32 s3, s0;
	s1 =	sshll.u32 s1, $0x11  }
0x33: {  	s0 =	sor.u32 s1, s0  }
0x34: {  	s0 =	sadd.s32 $0x8F2B, s0  }
0x35: {  	[sflag:s0] =	ssyncadd.remote.s32 $0x1  }
0x36: {  	_ =	sfence.sel $0xFFFF  }
0x37: {  	[dreg:$0x0] =	wrdreg $0xFFFFFFFF;
	(pc) =	sbr.abs _section_cstart, $3  }
0x38: {  	[dreg:$0x1] =	wrdreg $0xFFFFFFFF  }
0x39: {  	_ =	task.clear_ibuf [dreg:s7], $0x2FFFF;
	_ =	strace $0x9FFFFFFF  }
0x3a: {  	(tm) =	ssettm $0x7FFFFFFF  }
0x3b: {  	_ =	shalt  }
tec
execute0_lowered:
.L_overlay_start_1:
0x0: {  	(tag) =	ssettag $0x1  }
0x1: {  	s0 =	srdreg.scid  }
0x2: {  	s1 =	sshll.u32 s0, $0x4  }
0x3: {  	s0 =	stileid.u32;
	s1 =	sand.u32 $0x10, s1  }
0x4: {  	s1 =	sor.u32 s0, s1  }
0x5: {  	s6 =	rddreg [dreg:$0x0];
	s4 =	simm.s32 $0x1;
	s2 =	sshll.u32 s1, $0x7  }
0x6: {  	s7 =	simm.s32 $0x2;
	s12 =	simm.s32 $0x0;
	s1 =	ssub.s32 $0x1000, s2  }
0x7: {  	s8 =	simm.s32 $0x8000;
	s13 =	simm.s32 $0x0;
	s3 =	sand.u32 $0xF80, s1  }
0x8: {  	s9 =	simm.s32 $0x0;
	s5 =	sshrl.u32 s1, $0xC;
	p0 =	sne.s32 s3, $0x0  }
.Ltmp0:
0x9: {  	s1 =	rddreg [dreg:$0x2];
	s4 =	simm.s32 @!p0 $0x0;
	(pc) =	sbr.rel .LBB1_1-.Ltmp0, $4  }
0xa: {  	s11 =	simm.s32 $0x0;
	s3 =	rddreg [dreg:$0x1];
	s5 =	sadd.s32 s4, s5  }
0xb: {  	_ =	strace $0x8000004A;
	s4 =	simm.s32 $0x1;
	s5 =	smul.u32 $0xC8, s5  }
0xc: {  	s6 =	sadd.s32 $0xDCE00, s6;
	s10 =	smov.u32 s2;
	[sflag:s4] =	ssyncpa.u1 $0x0  }
0xd: {  	p0 =	por $0x0, $0x0;
	[sflag:s7] =	ssyncpa.u1 $0x0;
	s7 =	sor.u32 $0x1, s5  }
.LBB1_4:
0xe: {  	s16 =	sshll.u32 s13, $0x3;
	s17 =	sand.u32 $0x78, s13  }
0xf: {  	s30 =	sand.u32 $0x7E00, s13;
	s12 =	sshll.u32 s12, $0xF;
	s16 =	sand.u32 $0xC00, s16  }
0x10: {  	[tilespmem:s15+$0x810 ss:$0x81] =	vst.msk $0xffff, v2;
	s31 =	sand.u32 $0x7, s13;
	s16 =	sor.u32 s17, s16;
	s17 =	sadd.s32 s3, s30  }
0x11: {  	[tilespmem:s15+$0x1020 ss:$0x81] =	vst.msk $0xffff, v0;
	s13 =	sshll.u32 s31, $0x12;
	s12 =	sadd.s32 s12, s17;
	s16 =	sshrl.u32 s16, $0x3  }
0x12: {  	[tilespmem:s15+$0x0 ss:$0x81] =	vst.msk $0xffff, v1;
	s13 =	sor.u32 $0x400, s13;
	s12 =	sadd.s32 s16, s12  }
0x13: {  	[hbm4b:s12+s13] =	stream.strided.scatter [tilespmem:s14], [sflag:$0x2], $0x2000, s8, s13, $0x20;
	[tilespmem:$0x8080] =	vst v63  }
.LBB1_5:
0x14: {  	s14 =	sadd.s32 $0x1, s9  }
0x15: {  	s12 =	sadd.s32 $0x1000, s10;
	s16 =	smov.u32 s10;
	p2 =	sgt.s32 s14, $0xC7  }
0x16: {  	s16 =	smov.u32 @p2 s12  }
0x17: {  	s14 =	simm.s32 @p2 $0x0;
	p2 =	sgt.s32 s16, $0xFFF  }
0x18: {  	s16 =	smov.u32 @p2 s2;
	p2 =	sne.s32 s11, s7  }
.Ltmp1:
0x19: {  	p1 =	slt.u32 s11, $0x2;
	(pc) =	sbr.rel @!p2 .LBB1_6-.Ltmp1, $4  }
0x1a: {  	s15 =	simm.s32 @!p1 $0x2  }
0x1b: {  	s13 =	smov.u32 s10;
	p0 =	por !p0, !p0;
	_ =	swait.ge @!p1 [sflag:s15], $0x2000  }
0x1c: {  	s12 =	smov.u32 s9;
	[sflag:s15] =	ssyncset.done @!p1 $0x0;
	s9 =	smov.u32 s14  }
0x1d: {  	s11 =	sadd.s32 $0x1, s11;
	[sflag:s15] =	ssyncadd.s32 @!p1 $0xFFFFE000;
	s10 =	smov.u32 s16  }
.LBB1_1:
0x1e: {  	p1 =	sge.u32 s11, s5  }
0x1f: {  	s14 =	sand.u32 @!p1 $0x1FFFFFF, s9  }
0x20: {  	s15 =	smulhi.u32 @!p1 $0x147AE15, s14;
	_ =	sdelay $0x1  }
0x21: {  	s15 =	smul.u32 @!p1 $0xC8, s15  }
0x22: {  	s16 =	sxor.u32 @!p1 $0xFFFFFFFF, s11;
	s17 =	smul.u32 @!p1 $0xC80, s10  }
0x23: {  	s31 =	sadd.s32 $0xFFFFFFFF, s11;
	s16 =	sshll.u32 @!p1 s16, $0xD;
	s14 =	ssub.s32 @!p1 s14, s15  }
0x24: {  	s15 =	sand.u32 @!p1 $0x2000, s16;
	s16 =	sadd.s32 @!p1 s6, s17;
	s14 =	sshll.u32 @!p1 s14, $0x4  }
0x25: {  	s17 =	simm.s32 @!p1 $0x6400;
	s14 =	sadd.s32 @!p1 s14, s16;
	s16 =	simm.s32 @!p1 $0x40  }
0x26: {  	[tilespmem:s15], [sflag:$0x1] =	stream.strided.gather @!p1 [hbm4b:s14+s16], $0x2000, s17, s16, $0x38;
	[tilespmem:$0x8080] =	vst v63  }
0x27: {  	p1 =	sge.u32 s31, s5  }
.Ltmp2:
0x28: {  	_ = 	snop;
	(pc) =	sbr.rel @p1 .LBB1_5-.Ltmp2, $1  }
0x29: {  	_ =	sdelay $0x3  }
0x2a: {  	s14 =	simm.s32 $0x1  }
0x2b: {  	_ =	swait.ge [sflag:s4], $0x2000;
	s14 =	simm.s32 @!p0 $0x0  }
0x2c: {  	[sflag:s4] =	ssyncset.done $0x0;
	s15 =	sshll.u32 s14, $0xD  }
0x2d: {  	[sflag:s4] =	ssyncadd.s32 $0xFFFFE000;
	s18 =	sor.u32 $0x20, s15  }
0x2e: {  	s14 =	smul.u32 $0x8100, s14;
	v3 =	vld [tilespmem:s18+$0x10]  }
0x2f: {  	s30 =	sand.u32 $0x1, s11;
	v2 =	vld [tilespmem:s18+$0xFFFFFFF0]  }
0x30: {  	s15 =	smul.u32 $0x8100, s30;
	s14 =	sshrl.u32 s14, $0x2;
	v0 =	vld [tilespmem:s18+$0x0]  }
0x31: {  	v1 =	vld [tilespmem:s18+$0xFFFFFFE0];
	s16 =	sor.u32 $0x4000, s14  }
0x32: {  	s31 =	sshrl.u32 s15, $0x2;
	s15 =	sadd.s32 $0x0, s16  }
0x33: {  	s17 =	simm.s32 $0x4;
	s18 =	sadd.s32 $0x40, s18;
	s14 =	sor.u32 $0x4000, s31;
	[tilespmem:s15+$0x1830 ss:$0x81] =	vst.msk $0xffff, v3  }
.LBB1_3:
0x34: {  	v3 =	vld [tilespmem:s18+$0x10];
	p1 =	sne.s32 s17, $0x1FC;
	[tilespmem:s15+$0x810 ss:$0x81] =	vst.msk $0xffff, v2;
	s19 =	smov.u32 s17;
	s17 =	sadd.s32 $0x4, s17  }
.Ltmp3:
0x35: {  	v2 =	vld [tilespmem:s18+$0xFFFFFFF0];
	[tilespmem:s15+$0x1020 ss:$0x81] =	vst.msk $0xffff, v0;
	(pc) =	sbr.rel @p1 .LBB1_3-.Ltmp3, $4  }
0x36: {  	v0 =	vld [tilespmem:s18+$0x0];
	[tilespmem:s15+$0x0 ss:$0x81] =	vst.msk $0xffff, v1  }
0x37: {  	s15 =	sshra.s32 s19, $0x2;
	v1 =	vld [tilespmem:s18+$0xFFFFFFE0]  }
0x38: {  	s15 =	sadd.s32 s15, s16  }
0x39: {  	s18 =	sadd.s32 $0x40, s18;
	[tilespmem:s15+$0x1830 ss:$0x81] =	vst.msk $0xffff, v3  }
.Ltmp4:
0x3a: {  	_ = 	snop;
	(pc) =	sbr.rel .LBB1_4-.Ltmp4, $1  }
0x3b: {  	_ =	sdelay $0x3  }
.LBB1_6:
0x3c: {  	_ =	sfence.sel $0x180000  }
0x3d: {  	s2 =	simm.s32 $0x1;
	[bflag:$0x0] =	sbarrier.arrive $0xFFFF  }
0x3e: {  	s31 =	simm.s32 $0x2;
	[sflag:s2] =	ssyncpa.u1 $0x1  }
0x3f: {  	[sflag:s31] =	ssyncpa.u1 $0x1  }
0x40: {  	p0 =	sne.s32 s0, $0x0;
	_ =	strace $0x9000004A  }
0x41: {  	s0 =	sadd.s32 @!p0 $0x100000, s1;
	[bflag:$0x2] =	sbarrier.arrive $0xFFFF  }
0x42: {  	[sflag:s0] =	ssyncadd.tile.s32 @!p0 $0x1;
	_ =	shalt  }
.Lfunc_end1:
_tile_overlayer_lowered:
.L_overlay_start_2:
0x43: {  	(tag) =	ssettag $0x2  }
0x44: {  	s0 =	rddreg [dreg:$0x0];
	s2 =	stileid.u32  }
0x45: {  	s1 =	rddreg [dreg:$0x1];
	p0 =	sne.s32 s2, $0x0  }
0x46: {  	s3 =	rddreg [dreg:$0x2];
	[bflag:$0x3] =	sbarrier.arrive $0xFFFF;
	s2 =	simm.s32 @!p0 $0x1C01  }
0x47: {  	[timem:s3], [sflag:s2] =	dma.local @!p0 [hbm:s0], s1  }
0x48: {  	s0 =	simm.s32 @!p0 $0x1  }
0x49: {  	_ =	swait.ge @!p0 [sflag:s0], s1  }
0x4a: {  	s1 =	ssub.s32 @!p0 $0x0, s1;
	[sflag:s0] =	ssyncset.done @!p0 $0x0  }
0x4b: {  	[sflag:s0] =	ssyncadd.s32 @!p0 s1  }
0x4c: {  	[bflag:$0x3] =	sbarrier.arrive $0xFFFF  }
0x4d: {  	_ =	shalt  }

</sc_bundles>
